<compile_context>
chip_gen: v7x
topology: tpu7x:2x2x1
jax: 0.10.2.dev20260603
libtpu: 0.0.44.dev20260713+nightly
codegen_flags: <defaults>
</compile_context>

<pallas_src>
import jax
import jax.numpy as jnp
from jax import lax
from jax.experimental import pallas as pl
from jax.experimental.pallas import tpu as pltpu
from jax.experimental.pallas import tpu_sc as plsc

_NC = 2
_NS = 16
_NW = _NC * _NS

_BATCH = 16384
_EMBED = 64
_IDX_CHUNK = 128
_B_PER_W = _BATCH // _NW
_CHUNKS_PER_W = _B_PER_W // _IDX_CHUNK

_Q_USER = 256000
_Q_MOVIE = 25600
_TBH = 6400


def _pack_body(in1_ref, in2_ref, in3_ref, in4_ref, out_ref):
  def bf16_bits(x_t):
    xi = jax.lax.bitcast_convert_type(x_t, jnp.int32)
    return jax.lax.shift_right_logical(xi + jnp.int32(0x8000), 16)

  a = bf16_bits(in1_ref[:].T)
  b = bf16_bits(in2_ref[:].T)
  c = bf16_bits(in3_ref[:].T)
  d = bf16_bits(in4_ref[:].T)
  w_lo = a | jax.lax.shift_left(b, 16)
  w_hi = c | jax.lax.shift_left(d, 16)
  out_ref[:] = jnp.concatenate([w_lo, w_hi], axis=1)


def _tc_pack(table_t, q_quarter):
  grid = (q_quarter // _TBH,)
  off = q_quarter // _TBH
  last = (table_t.shape[1] - 1) // _TBH
  return pl.pallas_call(
      _pack_body,
      grid=grid,
      in_specs=[
          pl.BlockSpec((_EMBED, _TBH), lambda i: (0, i)),
          pl.BlockSpec((_EMBED, _TBH),
                       lambda i: (0, jnp.minimum(off + i, last))),
          pl.BlockSpec((_EMBED, _TBH),
                       lambda i: (0, jnp.minimum(2 * off + i, last))),
          pl.BlockSpec((_EMBED, _TBH),
                       lambda i: (0, jnp.minimum(3 * off + i, last))),
      ],
      out_specs=pl.BlockSpec((_TBH, 2 * _EMBED), lambda i: (i, 0)),
      out_shape=jax.ShapeDtypeStruct((q_quarter, 2 * _EMBED), jnp.int32),
  )(table_t, table_t, table_t, table_t)


def _gather_body(user_idx_hbm, movie_idx_hbm, user_table_hbm, movie_table_hbm,
                 uvec_hbm, mvec_hbm, idx_u, idx_m, rows_u0, rows_u1, rows_m0,
                 rows_m1, sem_u0, sem_u1, sem_m0, sem_m1, sem_i):
  wid = lax.axis_index("s") * _NC + lax.axis_index("c")
  base = wid * _B_PER_W
  row0 = wid * _CHUNKS_PER_W
  ubufs = (rows_u0, rows_u1)
  mbufs = (rows_m0, rows_m1)
  usems = (sem_u0, sem_u1)
  msems = (sem_m0, sem_m1)
  cu = pltpu.async_copy(user_idx_hbm.at[pl.ds(row0, _CHUNKS_PER_W)], idx_u,
                        sem_i)
  cm = pltpu.async_copy(movie_idx_hbm.at[pl.ds(row0, _CHUNKS_PER_W)], idx_m,
                        sem_i)
  cu.wait()
  cm.wait()

  def start(j):
    b = j % 2
    cu = pltpu.async_copy(user_table_hbm.at[idx_u.at[j]], ubufs[b], usems[b])
    cm = pltpu.async_copy(movie_table_hbm.at[idx_m.at[j]], mbufs[b], msems[b])
    return cu, cm

  inflight = {0: start(0)}
  for j in range(_CHUNKS_PER_W):
    if j + 1 < _CHUNKS_PER_W:
      inflight[j + 1] = start(j + 1)
    cu, cm = inflight.pop(j)
    cu.wait()
    cm.wait()
    b = j % 2
    dst = pl.ds(base + j * _IDX_CHUNK, _IDX_CHUNK)
    pltpu.sync_copy(ubufs[b], uvec_hbm.at[dst])
    pltpu.sync_copy(mbufs[b], mvec_hbm.at[dst])


def _sc_gather_quads(user_q, movie_q, user_table4, movie_table4):
  mesh = plsc.VectorSubcoreMesh(core_axis_name="c", subcore_axis_name="s")
  fn = pl.kernel(
      _gather_body,
      out_type=[
          jax.ShapeDtypeStruct((_BATCH, 2 * _EMBED), jnp.int32),
          jax.ShapeDtypeStruct((_BATCH, 2 * _EMBED), jnp.int32),
      ],
      mesh=mesh,
      compiler_params=pltpu.CompilerParams(use_tc_tiling_on_sc=True),
      scratch_types=[
          pltpu.VMEM((_CHUNKS_PER_W, _IDX_CHUNK), jnp.int32),
          pltpu.VMEM((_CHUNKS_PER_W, _IDX_CHUNK), jnp.int32),
          pltpu.VMEM((_IDX_CHUNK, 2 * _EMBED), jnp.int32),
          pltpu.VMEM((_IDX_CHUNK, 2 * _EMBED), jnp.int32),
          pltpu.VMEM((_IDX_CHUNK, 2 * _EMBED), jnp.int32),
          pltpu.VMEM((_IDX_CHUNK, 2 * _EMBED), jnp.int32),
          pltpu.SemaphoreType.DMA,
          pltpu.SemaphoreType.DMA,
          pltpu.SemaphoreType.DMA,
          pltpu.SemaphoreType.DMA,
          pltpu.SemaphoreType.DMA,
      ],
  )
  return fn(user_q, movie_q, user_table4, movie_table4)


_BLK = 4096


def _unpack(w4, hi_sel, odd_sel):
  w = w4[:, _EMBED:] * hi_sel + w4[:, :_EMBED] * (1 - hi_sel)
  lo = jax.lax.shift_left(w, 16)
  hi = w & jnp.int32(-65536)
  bits = hi * odd_sel + lo * (1 - odd_sel)
  return jax.lax.bitcast_convert_type(bits, jnp.float32)


def _mlp_body(u4_ref, m4_ref, uq_ref, mq_ref, w1u_ref, w1m_ref, b1_ref,
              w2t_ref, b2_ref, out_ref):
  uq = uq_ref[:]
  mq = mq_ref[:]
  u = _unpack(u4_ref[:], uq[:, 0:1], uq[:, 1:2])
  m = _unpack(m4_ref[:], mq[:, 0:1], mq[:, 1:2])
  h = (jnp.dot(u, w1u_ref[:], preferred_element_type=jnp.float32) +
       jnp.dot(m, w1m_ref[:], preferred_element_type=jnp.float32) +
       b1_ref[:])
  h = jnp.maximum(h, 0.0)
  out_ref[:] = (jnp.dot(h, w2t_ref[:], preferred_element_type=jnp.float32) +
                b2_ref[:])


def _tc_mlp(u4, m4, uq, mq, W1, b1, W2, b2):
  w1u = W1[:_EMBED]
  w1m = W1[_EMBED:]
  b1r = b1.reshape(1, 128)
  w2t = W2
  b2r = b2.reshape(1, 1)
  grid = (_BATCH // _BLK,)
  return pl.pallas_call(
      _mlp_body,
      grid=grid,
      in_specs=[
          pl.BlockSpec((_BLK, 2 * _EMBED), lambda i: (i, 0)),
          pl.BlockSpec((_BLK, 2 * _EMBED), lambda i: (i, 0)),
          pl.BlockSpec((_BLK, 2), lambda i: (i, 0)),
          pl.BlockSpec((_BLK, 2), lambda i: (i, 0)),
          pl.BlockSpec((_EMBED, 128), lambda i: (0, 0)),
          pl.BlockSpec((_EMBED, 128), lambda i: (0, 0)),
          pl.BlockSpec((1, 128), lambda i: (0, 0)),
          pl.BlockSpec((128, 1), lambda i: (0, 0)),
          pl.BlockSpec((1, 1), lambda i: (0, 0)),
      ],
      out_specs=pl.BlockSpec((_BLK, 1), lambda i: (i, 0)),
      out_shape=jax.ShapeDtypeStruct((_BATCH, 1), jnp.float32),
  )(u4, m4, uq, mq, w1u, w1m, b1r, w2t, b2r)


@jax.jit
def _run(user, movie, user_table, movie_table, W1, b1, W2, b2):
  user_table4 = _tc_pack(user_table.T, _Q_USER)
  movie_table4 = _tc_pack(movie_table.T, _Q_MOVIE)
  uqr = user // _Q_USER
  mqr = movie // _Q_MOVIE
  user_q = (user - uqr * _Q_USER).reshape(_BATCH // _IDX_CHUNK, _IDX_CHUNK)
  movie_q = (movie - mqr * _Q_MOVIE).reshape(_BATCH // _IDX_CHUNK, _IDX_CHUNK)
  uq = jnp.stack([(uqr >= 2).astype(jnp.int32), (uqr & 1)], axis=1)
  mq = jnp.stack([(mqr >= 2).astype(jnp.int32), (mqr & 1)], axis=1)
  u4, m4 = _sc_gather_quads(user_q, movie_q, user_table4, movie_table4)
  return _tc_mlp(u4, m4, uq, mq, W1, b1, W2, b2)


def kernel(user, movie, user_table, movie_table, W1, b1, W2, b2):
  return _run(user, movie, user_table, movie_table, W1, b1, W2, b2)

# --- scband reference (transcript-rebuilt; emitter-appended) ---
"""Pipeline reference for scband-cfrecommender-model-1924145348851 (READ-ONLY COPY).

The authoritative reference and input builder live on the scoring server;
editing this copy changes nothing except your own understanding.
"""

import jax, jax.numpy as jnp
import numpy as np

USER_DIM = 1000000
MOVIE_DIM = 100000
EMBED_DIM = 64
BATCH = 16384

def setup_inputs(seed: int = 0) -> dict:
    key = jax.random.key(seed)
    ks = jax.random.split(key, 8)
    user = jax.random.randint(ks[0], (BATCH,), 0, USER_DIM, dtype=jnp.int64 if jax.config.jax_enable_x64 else jnp.int32).astype(jnp.int32)
    movie = jax.random.randint(ks[1], (BATCH,), 0, MOVIE_DIM, dtype=jnp.int64 if jax.config.jax_enable_x64 else jnp.int32).astype(jnp.int32)
    user_table = jax.random.normal(ks[2], (USER_DIM, EMBED_DIM), dtype=jnp.float32) * 0.05
    movie_table = jax.random.normal(ks[3], (MOVIE_DIM, EMBED_DIM), dtype=jnp.float32) * 0.05
    W1 = jax.random.normal(ks[4], (2 * EMBED_DIM, 128), dtype=jnp.float32) * (1.0 / np.sqrt(2 * EMBED_DIM))
    b1 = jnp.zeros((128,), dtype=jnp.float32)
    W2 = jax.random.normal(ks[5], (128, 1), dtype=jnp.float32) * (1.0 / np.sqrt(128))
    b2 = jnp.zeros((1,), dtype=jnp.float32)
    return {"user": user, "movie": movie, "user_table": user_table, "movie_table": movie_table, "W1": W1, "b1": b1, "W2": W2, "b2": b2}

def reference(user, movie, user_table, movie_table, W1, b1, W2, b2):
    # Embedding lookups (gather) -> maps to SparseCore
    user_vector = jnp.take(user_table, user, axis=0)   # [B, E]
    movie_vector = jnp.take(movie_table, movie, axis=0)  # [B, E]
    # Flatten is a no-op for [B, E] after single-id lookup
    concat = jnp.concatenate([user_vector, movie_vector], axis=1)  # [B, 2E]
    dense_output = jax.nn.relu(concat @ W1 + b1)  # [B, 128]
    out = dense_output @ W2 + b2  # [B, 1]
    return out

if __name__ == "__main__":
    import jax
    _d = setup_inputs()
    print(jax.jit(kernel)(*tuple(_d.values())))

</pallas_src>

<mosaic_0001>
#map = affine_map<(d0, d1) -> (0, 0)>
module attributes {stable_mosaic.version = 14 : i64} {
  func.func @_gather_body(%arg0: i32, %arg1: i32, %arg2: memref<128x128xi32, #tpu.memory_space<hbm>>, %arg3: memref<128x128xi32, #tpu.memory_space<hbm>>, %arg4: memref<256000x128xi32, #tpu.memory_space<hbm>>, %arg5: memref<25600x128xi32, #tpu.memory_space<hbm>>, %arg6: memref<16384x128xi32, #tpu.memory_space<hbm>>, %arg7: memref<16384x128xi32, #tpu.memory_space<hbm>>, %arg8: memref<4x128xi32, #tpu.memory_space<vmem>>, %arg9: memref<4x128xi32, #tpu.memory_space<vmem>>, %arg10: memref<128x128xi32, #tpu.memory_space<vmem>>, %arg11: memref<128x128xi32, #tpu.memory_space<vmem>>, %arg12: memref<128x128xi32, #tpu.memory_space<vmem>>, %arg13: memref<128x128xi32, #tpu.memory_space<vmem>>, %arg14: memref<!tpu.dma_semaphore, #tpu.memory_space<semaphore_mem>>, %arg15: memref<!tpu.dma_semaphore, #tpu.memory_space<semaphore_mem>>, %arg16: memref<!tpu.dma_semaphore, #tpu.memory_space<semaphore_mem>>, %arg17: memref<!tpu.dma_semaphore, #tpu.memory_space<semaphore_mem>>, %arg18: memref<!tpu.dma_semaphore, #tpu.memory_space<semaphore_mem>>) attributes {dimension_semantics = [#tpu.dimension_semantics<core_parallel>, #tpu.dimension_semantics<subcore_parallel>], iteration_bounds = array<i64: 2, 16>, scalar_prefetch = 0 : i64, scratch_operands = 11 : i64, tpu.core_type = #tpu.core_type<sc_vector_subcore>, window_params = [{transform_indices = #map}, {transform_indices = #map}, {transform_indices = #map}, {transform_indices = #map}, {transform_indices = #map}, {transform_indices = #map}]} {
    %mul3A = arith.constant 2 : i32
    %mul3A_0 = arith.muli %arg1, %mul3A : i32
    %add3A = arith.addi %mul3A_0, %arg0 : i32
    %mul3A_1 = arith.constant 512 : i32
    %mul3A_2 = arith.muli %add3A, %mul3A_1 : i32
    %mul3A_3 = arith.constant 4 : i32
    %mul3A_4 = arith.muli %add3A, %mul3A_3 : i32
    %dma_start3A = arith.constant 0 : i32
    %dma_start3A_5 = tpu.memref_slice %arg2[%mul3A_4, %dma_start3A] : memref<128x128xi32, #tpu.memory_space<hbm>> -> memref<4x128xi32, #tpu.memory_space<hbm>>
    %dma_start3A_6 = arith.constant 0 : i32
    %dma_start3A_7 = tpu.memref_slice %arg2[%mul3A_4, %dma_start3A_6] : memref<128x128xi32, #tpu.memory_space<hbm>> -> memref<4x128xi32, #tpu.memory_space<hbm>>
    tpu.enqueue_dma source(%dma_start3A_7 : memref<4x128xi32, #tpu.memory_space<hbm>>) target(%arg8 : memref<4x128xi32, #tpu.memory_space<vmem>>) target_semaphore(%arg18 : memref<!tpu.dma_semaphore, #tpu.memory_space<semaphore_mem>>)
    %dma_start3A_8 = arith.constant 0 : i32
    %dma_start3A_9 = tpu.memref_slice %arg3[%mul3A_4, %dma_start3A_8] : memref<128x128xi32, #tpu.memory_space<hbm>> -> memref<4x128xi32, #tpu.memory_space<hbm>>
    %dma_start3A_10 = arith.constant 0 : i32
    %dma_start3A_11 = tpu.memref_slice %arg3[%mul3A_4, %dma_start3A_10] : memref<128x128xi32, #tpu.memory_space<hbm>> -> memref<4x128xi32, #tpu.memory_space<hbm>>
    tpu.enqueue_dma source(%dma_start3A_11 : memref<4x128xi32, #tpu.memory_space<hbm>>) target(%arg9 : memref<4x128xi32, #tpu.memory_space<vmem>>) target_semaphore(%arg18 : memref<!tpu.dma_semaphore, #tpu.memory_space<semaphore_mem>>)
    %dma_wait3A = arith.constant 0 : i32
    %dma_wait3A_12 = tpu.memref_slice %arg2[%mul3A_4, %dma_wait3A] : memref<128x128xi32, #tpu.memory_space<hbm>> -> memref<4x128xi32, #tpu.memory_space<hbm>>
    %dma_wait3A_13 = arith.constant 0 : i32
    %dma_wait3A_14 = tpu.memref_slice %arg2[%mul3A_4, %dma_wait3A_13] : memref<128x128xi32, #tpu.memory_space<hbm>> -> memref<4x128xi32, #tpu.memory_space<hbm>>
    tpu.wait_dma2 semaphore(%arg18 : memref<!tpu.dma_semaphore, #tpu.memory_space<semaphore_mem>>) src(%dma_wait3A_14 : memref<4x128xi32, #tpu.memory_space<hbm>>) dst(%arg8 : memref<4x128xi32, #tpu.memory_space<vmem>>)
    %dma_wait3A_15 = arith.constant 0 : i32
    %dma_wait3A_16 = tpu.memref_slice %arg3[%mul3A_4, %dma_wait3A_15] : memref<128x128xi32, #tpu.memory_space<hbm>> -> memref<4x128xi32, #tpu.memory_space<hbm>>
    %dma_wait3A_17 = arith.constant 0 : i32
    %dma_wait3A_18 = tpu.memref_slice %arg3[%mul3A_4, %dma_wait3A_17] : memref<128x128xi32, #tpu.memory_space<hbm>> -> memref<4x128xi32, #tpu.memory_space<hbm>>
    tpu.wait_dma2 semaphore(%arg18 : memref<!tpu.dma_semaphore, #tpu.memory_space<semaphore_mem>>) src(%dma_wait3A_18 : memref<4x128xi32, #tpu.memory_space<hbm>>) dst(%arg9 : memref<4x128xi32, #tpu.memory_space<vmem>>)
    %dma_start3A_19 = arith.constant 0 : i32
    %dma_start3A_20 = arith.constant 0 : i32
    %dma_start3A_21 = tpu.memref_slice %arg8[%dma_start3A_19, %dma_start3A_20] : memref<4x128xi32, #tpu.memory_space<vmem>> -> memref<1x128xi32, #tpu.memory_space<vmem>>
    %dma_start3A_22 = tpu.memref_squeeze %dma_start3A_21 : memref<1x128xi32, #tpu.memory_space<vmem>> -> memref<128xi32, #tpu.memory_space<vmem>>
    %dma_start3A_23 = arith.constant 0 : i32
    %dma_start3A_24 = arith.constant 0 : i32
    %dma_start3A_25 = tpu.memref_slice %arg4[%dma_start3A_23, %dma_start3A_24] : memref<256000x128xi32, #tpu.memory_space<hbm>> -> memref<256000x128xi32, #tpu.memory_space<hbm>>
    tpu.enqueue_indirect_dma source(%dma_start3A_25 : memref<256000x128xi32, #tpu.memory_space<hbm>>) target(%arg10 : memref<128x128xi32, #tpu.memory_space<vmem>>) offsets(%dma_start3A_22 : memref<128xi32, #tpu.memory_space<vmem>>) semaphore(%arg14 : memref<!tpu.dma_semaphore, #tpu.memory_space<semaphore_mem>>)
    %dma_start3A_26 = arith.constant 0 : i32
    %dma_start3A_27 = arith.constant 0 : i32
    %dma_start3A_28 = tpu.memref_slice %arg9[%dma_start3A_26, %dma_start3A_27] : memref<4x128xi32, #tpu.memory_space<vmem>> -> memref<1x128xi32, #tpu.memory_space<vmem>>
    %dma_start3A_29 = tpu.memref_squeeze %dma_start3A_28 : memref<1x128xi32, #tpu.memory_space<vmem>> -> memref<128xi32, #tpu.memory_space<vmem>>
    %dma_start3A_30 = arith.constant 0 : i32
    %dma_start3A_31 = arith.constant 0 : i32
    %dma_start3A_32 = tpu.memref_slice %arg5[%dma_start3A_30, %dma_start3A_31] : memref<25600x128xi32, #tpu.memory_space<hbm>> -> memref<25600x128xi32, #tpu.memory_space<hbm>>
    tpu.enqueue_indirect_dma source(%dma_start3A_32 : memref<25600x128xi32, #tpu.memory_space<hbm>>) target(%arg12 : memref<128x128xi32, #tpu.memory_space<vmem>>) offsets(%dma_start3A_29 : memref<128xi32, #tpu.memory_space<vmem>>) semaphore(%arg16 : memref<!tpu.dma_semaphore, #tpu.memory_space<semaphore_mem>>)
    %dma_start3A_33 = arith.constant 1 : i32
    %dma_start3A_34 = arith.constant 0 : i32
    %dma_start3A_35 = tpu.memref_slice %arg8[%dma_start3A_33, %dma_start3A_34] : memref<4x128xi32, #tpu.memory_space<vmem>> -> memref<1x128xi32, #tpu.memory_space<vmem>>
    %dma_start3A_36 = tpu.memref_squeeze %dma_start3A_35 : memref<1x128xi32, #tpu.memory_space<vmem>> -> memref<128xi32, #tpu.memory_space<vmem>>
    %dma_start3A_37 = arith.constant 0 : i32
    %dma_start3A_38 = arith.constant 0 : i32
    %dma_start3A_39 = tpu.memref_slice %arg4[%dma_start3A_37, %dma_start3A_38] : memref<256000x128xi32, #tpu.memory_space<hbm>> -> memref<256000x128xi32, #tpu.memory_space<hbm>>
    tpu.enqueue_indirect_dma source(%dma_start3A_39 : memref<256000x128xi32, #tpu.memory_space<hbm>>) target(%arg11 : memref<128x128xi32, #tpu.memory_space<vmem>>) offsets(%dma_start3A_36 : memref<128xi32, #tpu.memory_space<vmem>>) semaphore(%arg15 : memref<!tpu.dma_semaphore, #tpu.memory_space<semaphore_mem>>)
    %dma_start3A_40 = arith.constant 1 : i32
    %dma_start3A_41 = arith.constant 0 : i32
    %dma_start3A_42 = tpu.memref_slice %arg9[%dma_start3A_40, %dma_start3A_41] : memref<4x128xi32, #tpu.memory_space<vmem>> -> memref<1x128xi32, #tpu.memory_space<vmem>>
    %dma_start3A_43 = tpu.memref_squeeze %dma_start3A_42 : memref<1x128xi32, #tpu.memory_space<vmem>> -> memref<128xi32, #tpu.memory_space<vmem>>
    %dma_start3A_44 = arith.constant 0 : i32
    %dma_start3A_45 = arith.constant 0 : i32
    %dma_start3A_46 = tpu.memref_slice %arg5[%dma_start3A_44, %dma_start3A_45] : memref<25600x128xi32, #tpu.memory_space<hbm>> -> memref<25600x128xi32, #tpu.memory_space<hbm>>
    tpu.enqueue_indirect_dma source(%dma_start3A_46 : memref<25600x128xi32, #tpu.memory_space<hbm>>) target(%arg13 : memref<128x128xi32, #tpu.memory_space<vmem>>) offsets(%dma_start3A_43 : memref<128xi32, #tpu.memory_space<vmem>>) semaphore(%arg17 : memref<!tpu.dma_semaphore, #tpu.memory_space<semaphore_mem>>)
    %dma_wait3A_47 = arith.constant 0 : i32
    %dma_wait3A_48 = arith.constant 0 : i32
    %dma_wait3A_49 = tpu.memref_slice %arg8[%dma_wait3A_47, %dma_wait3A_48] : memref<4x128xi32, #tpu.memory_space<vmem>> -> memref<1x128xi32, #tpu.memory_space<vmem>>
    %dma_wait3A_50 = tpu.memref_squeeze %dma_wait3A_49 : memref<1x128xi32, #tpu.memory_space<vmem>> -> memref<128xi32, #tpu.memory_space<vmem>>
    %dma_wait3A_51 = arith.constant 0 : i32
    %dma_wait3A_52 = arith.constant 0 : i32
    %dma_wait3A_53 = tpu.memref_slice %arg4[%dma_wait3A_51, %dma_wait3A_52] : memref<256000x128xi32, #tpu.memory_space<hbm>> -> memref<256000x128xi32, #tpu.memory_space<hbm>>
    tpu.wait_indirect_dma semaphore(%arg14 : memref<!tpu.dma_semaphore, #tpu.memory_space<semaphore_mem>>) src(%dma_wait3A_53 : memref<256000x128xi32, #tpu.memory_space<hbm>>) dst(%arg10 : memref<128x128xi32, #tpu.memory_space<vmem>>)
    %dma_wait3A_54 = arith.constant 0 : i32
    %dma_wait3A_55 = arith.constant 0 : i32
    %dma_wait3A_56 = tpu.memref_slice %arg9[%dma_wait3A_54, %dma_wait3A_55] : memref<4x128xi32, #tpu.memory_space<vmem>> -> memref<1x128xi32, #tpu.memory_space<vmem>>
    %dma_wait3A_57 = tpu.memref_squeeze %dma_wait3A_56 : memref<1x128xi32, #tpu.memory_space<vmem>> -> memref<128xi32, #tpu.memory_space<vmem>>
    %dma_wait3A_58 = arith.constant 0 : i32
    %dma_wait3A_59 = arith.constant 0 : i32
    %dma_wait3A_60 = tpu.memref_slice %arg5[%dma_wait3A_58, %dma_wait3A_59] : memref<25600x128xi32, #tpu.memory_space<hbm>> -> memref<25600x128xi32, #tpu.memory_space<hbm>>
    tpu.wait_indirect_dma semaphore(%arg16 : memref<!tpu.dma_semaphore, #tpu.memory_space<semaphore_mem>>) src(%dma_wait3A_60 : memref<25600x128xi32, #tpu.memory_space<hbm>>) dst(%arg12 : memref<128x128xi32, #tpu.memory_space<vmem>>)
    %add3A_61 = arith.constant 0 : i32
    %add3A_62 = arith.addi %mul3A_2, %add3A_61 : i32
    "tpu.region"() ({
      %run_scoped3A = tpu.sem_alloc : memref<!tpu.dma_semaphore, #tpu.memory_space<semaphore_mem>>
      %dma_start3A_139 = arith.constant 0 : i32
      %dma_start3A_140 = tpu.memref_slice %arg6[%add3A_62, %dma_start3A_139] : memref<16384x128xi32, #tpu.memory_space<hbm>> -> memref<128x128xi32, #tpu.memory_space<hbm>>
      %dma_start3A_141 = arith.constant 0 : i32
      %dma_start3A_142 = tpu.memref_slice %arg6[%add3A_62, %dma_start3A_141] : memref<16384x128xi32, #tpu.memory_space<hbm>> -> memref<128x128xi32, #tpu.memory_space<hbm>>
      tpu.enqueue_dma source(%arg10 : memref<128x128xi32, #tpu.memory_space<vmem>>) target(%dma_start3A_142 : memref<128x128xi32, #tpu.memory_space<hbm>>) target_semaphore(%run_scoped3A : memref<!tpu.dma_semaphore, #tpu.memory_space<semaphore_mem>>)
      %dma_wait3A_143 = arith.constant 0 : i32
      %dma_wait3A_144 = tpu.memref_slice %arg6[%add3A_62, %dma_wait3A_143] : memref<16384x128xi32, #tpu.memory_space<hbm>> -> memref<128x128xi32, #tpu.memory_space<hbm>>
      %dma_wait3A_145 = arith.constant 0 : i32
      %dma_wait3A_146 = tpu.memref_slice %arg6[%add3A_62, %dma_wait3A_145] : memref<16384x128xi32, #tpu.memory_space<hbm>> -> memref<128x128xi32, #tpu.memory_space<hbm>>
      tpu.wait_dma2 semaphore(%run_scoped3A : memref<!tpu.dma_semaphore, #tpu.memory_space<semaphore_mem>>) src(%arg10 : memref<128x128xi32, #tpu.memory_space<vmem>>) dst(%dma_wait3A_146 : memref<128x128xi32, #tpu.memory_space<hbm>>)
      tpu.yield
    }) : () -> ()
    "tpu.region"() ({
      %run_scoped3A = tpu.sem_alloc : memref<!tpu.dma_semaphore, #tpu.memory_space<semaphore_mem>>
      %dma_start3A_139 = arith.constant 0 : i32
      %dma_start3A_140 = tpu.memref_slice %arg7[%add3A_62, %dma_start3A_139] : memref<16384x128xi32, #tpu.memory_space<hbm>> -> memref<128x128xi32, #tpu.memory_space<hbm>>
      %dma_start3A_141 = arith.constant 0 : i32
      %dma_start3A_142 = tpu.memref_slice %arg7[%add3A_62, %dma_start3A_141] : memref<16384x128xi32, #tpu.memory_space<hbm>> -> memref<128x128xi32, #tpu.memory_space<hbm>>
      tpu.enqueue_dma source(%arg12 : memref<128x128xi32, #tpu.memory_space<vmem>>) target(%dma_start3A_142 : memref<128x128xi32, #tpu.memory_space<hbm>>) target_semaphore(%run_scoped3A : memref<!tpu.dma_semaphore, #tpu.memory_space<semaphore_mem>>)
      %dma_wait3A_143 = arith.constant 0 : i32
      %dma_wait3A_144 = tpu.memref_slice %arg7[%add3A_62, %dma_wait3A_143] : memref<16384x128xi32, #tpu.memory_space<hbm>> -> memref<128x128xi32, #tpu.memory_space<hbm>>
      %dma_wait3A_145 = arith.constant 0 : i32
      %dma_wait3A_146 = tpu.memref_slice %arg7[%add3A_62, %dma_wait3A_145] : memref<16384x128xi32, #tpu.memory_space<hbm>> -> memref<128x128xi32, #tpu.memory_space<hbm>>
      tpu.wait_dma2 semaphore(%run_scoped3A : memref<!tpu.dma_semaphore, #tpu.memory_space<semaphore_mem>>) src(%arg12 : memref<128x128xi32, #tpu.memory_space<vmem>>) dst(%dma_wait3A_146 : memref<128x128xi32, #tpu.memory_space<hbm>>)
      tpu.yield
    }) : () -> ()
    %dma_start3A_63 = arith.constant 2 : i32
    %dma_start3A_64 = arith.constant 0 : i32
    %dma_start3A_65 = tpu.memref_slice %arg8[%dma_start3A_63, %dma_start3A_64] : memref<4x128xi32, #tpu.memory_space<vmem>> -> memref<1x128xi32, #tpu.memory_space<vmem>>
    %dma_start3A_66 = tpu.memref_squeeze %dma_start3A_65 : memref<1x128xi32, #tpu.memory_space<vmem>> -> memref<128xi32, #tpu.memory_space<vmem>>
    %dma_start3A_67 = arith.constant 0 : i32
    %dma_start3A_68 = arith.constant 0 : i32
    %dma_start3A_69 = tpu.memref_slice %arg4[%dma_start3A_67, %dma_start3A_68] : memref<256000x128xi32, #tpu.memory_space<hbm>> -> memref<256000x128xi32, #tpu.memory_space<hbm>>
    tpu.enqueue_indirect_dma source(%dma_start3A_69 : memref<256000x128xi32, #tpu.memory_space<hbm>>) target(%arg10 : memref<128x128xi32, #tpu.memory_space<vmem>>) offsets(%dma_start3A_66 : memref<128xi32, #tpu.memory_space<vmem>>) semaphore(%arg14 : memref<!tpu.dma_semaphore, #tpu.memory_space<semaphore_mem>>)
    %dma_start3A_70 = arith.constant 2 : i32
    %dma_start3A_71 = arith.constant 0 : i32
    %dma_start3A_72 = tpu.memref_slice %arg9[%dma_start3A_70, %dma_start3A_71] : memref<4x128xi32, #tpu.memory_space<vmem>> -> memref<1x128xi32, #tpu.memory_space<vmem>>
    %dma_start3A_73 = tpu.memref_squeeze %dma_start3A_72 : memref<1x128xi32, #tpu.memory_space<vmem>> -> memref<128xi32, #tpu.memory_space<vmem>>
    %dma_start3A_74 = arith.constant 0 : i32
    %dma_start3A_75 = arith.constant 0 : i32
    %dma_start3A_76 = tpu.memref_slice %arg5[%dma_start3A_74, %dma_start3A_75] : memref<25600x128xi32, #tpu.memory_space<hbm>> -> memref<25600x128xi32, #tpu.memory_space<hbm>>
    tpu.enqueue_indirect_dma source(%dma_start3A_76 : memref<25600x128xi32, #tpu.memory_space<hbm>>) target(%arg12 : memref<128x128xi32, #tpu.memory_space<vmem>>) offsets(%dma_start3A_73 : memref<128xi32, #tpu.memory_space<vmem>>) semaphore(%arg16 : memref<!tpu.dma_semaphore, #tpu.memory_space<semaphore_mem>>)
    %dma_wait3A_77 = arith.constant 1 : i32
    %dma_wait3A_78 = arith.constant 0 : i32
    %dma_wait3A_79 = tpu.memref_slice %arg8[%dma_wait3A_77, %dma_wait3A_78] : memref<4x128xi32, #tpu.memory_space<vmem>> -> memref<1x128xi32, #tpu.memory_space<vmem>>
    %dma_wait3A_80 = tpu.memref_squeeze %dma_wait3A_79 : memref<1x128xi32, #tpu.memory_space<vmem>> -> memref<128xi32, #tpu.memory_space<vmem>>
    %dma_wait3A_81 = arith.constant 0 : i32
    %dma_wait3A_82 = arith.constant 0 : i32
    %dma_wait3A_83 = tpu.memref_slice %arg4[%dma_wait3A_81, %dma_wait3A_82] : memref<256000x128xi32, #tpu.memory_space<hbm>> -> memref<256000x128xi32, #tpu.memory_space<hbm>>
    tpu.wait_indirect_dma semaphore(%arg15 : memref<!tpu.dma_semaphore, #tpu.memory_space<semaphore_mem>>) src(%dma_wait3A_83 : memref<256000x128xi32, #tpu.memory_space<hbm>>) dst(%arg11 : memref<128x128xi32, #tpu.memory_space<vmem>>)
    %dma_wait3A_84 = arith.constant 1 : i32
    %dma_wait3A_85 = arith.constant 0 : i32
    %dma_wait3A_86 = tpu.memref_slice %arg9[%dma_wait3A_84, %dma_wait3A_85] : memref<4x128xi32, #tpu.memory_space<vmem>> -> memref<1x128xi32, #tpu.memory_space<vmem>>
    %dma_wait3A_87 = tpu.memref_squeeze %dma_wait3A_86 : memref<1x128xi32, #tpu.memory_space<vmem>> -> memref<128xi32, #tpu.memory_space<vmem>>
    %dma_wait3A_88 = arith.constant 0 : i32
    %dma_wait3A_89 = arith.constant 0 : i32
    %dma_wait3A_90 = tpu.memref_slice %arg5[%dma_wait3A_88, %dma_wait3A_89] : memref<25600x128xi32, #tpu.memory_space<hbm>> -> memref<25600x128xi32, #tpu.memory_space<hbm>>
    tpu.wait_indirect_dma semaphore(%arg17 : memref<!tpu.dma_semaphore, #tpu.memory_space<semaphore_mem>>) src(%dma_wait3A_90 : memref<25600x128xi32, #tpu.memory_space<hbm>>) dst(%arg13 : memref<128x128xi32, #tpu.memory_space<vmem>>)
    %add3A_91 = arith.constant 128 : i32
    %add3A_92 = arith.addi %mul3A_2, %add3A_91 : i32
    "tpu.region"() ({
      %run_scoped3A = tpu.sem_alloc : memref<!tpu.dma_semaphore, #tpu.memory_space<semaphore_mem>>
      %dma_start3A_139 = arith.constant 0 : i32
      %dma_start3A_140 = tpu.memref_slice %arg6[%add3A_92, %dma_start3A_139] : memref<16384x128xi32, #tpu.memory_space<hbm>> -> memref<128x128xi32, #tpu.memory_space<hbm>>
      %dma_start3A_141 = arith.constant 0 : i32
      %dma_start3A_142 = tpu.memref_slice %arg6[%add3A_92, %dma_start3A_141] : memref<16384x128xi32, #tpu.memory_space<hbm>> -> memref<128x128xi32, #tpu.memory_space<hbm>>
      tpu.enqueue_dma source(%arg11 : memref<128x128xi32, #tpu.memory_space<vmem>>) target(%dma_start3A_142 : memref<128x128xi32, #tpu.memory_space<hbm>>) target_semaphore(%run_scoped3A : memref<!tpu.dma_semaphore, #tpu.memory_space<semaphore_mem>>)
      %dma_wait3A_143 = arith.constant 0 : i32
      %dma_wait3A_144 = tpu.memref_slice %arg6[%add3A_92, %dma_wait3A_143] : memref<16384x128xi32, #tpu.memory_space<hbm>> -> memref<128x128xi32, #tpu.memory_space<hbm>>
      %dma_wait3A_145 = arith.constant 0 : i32
      %dma_wait3A_146 = tpu.memref_slice %arg6[%add3A_92, %dma_wait3A_145] : memref<16384x128xi32, #tpu.memory_space<hbm>> -> memref<128x128xi32, #tpu.memory_space<hbm>>
      tpu.wait_dma2 semaphore(%run_scoped3A : memref<!tpu.dma_semaphore, #tpu.memory_space<semaphore_mem>>) src(%arg11 : memref<128x128xi32, #tpu.memory_space<vmem>>) dst(%dma_wait3A_146 : memref<128x128xi32, #tpu.memory_space<hbm>>)
      tpu.yield
    }) : () -> ()
    "tpu.region"() ({
      %run_scoped3A = tpu.sem_alloc : memref<!tpu.dma_semaphore, #tpu.memory_space<semaphore_mem>>
      %dma_start3A_139 = arith.constant 0 : i32
      %dma_start3A_140 = tpu.memref_slice %arg7[%add3A_92, %dma_start3A_139] : memref<16384x128xi32, #tpu.memory_space<hbm>> -> memref<128x128xi32, #tpu.memory_space<hbm>>
      %dma_start3A_141 = arith.constant 0 : i32
      %dma_start3A_142 = tpu.memref_slice %arg7[%add3A_92, %dma_start3A_141] : memref<16384x128xi32, #tpu.memory_space<hbm>> -> memref<128x128xi32, #tpu.memory_space<hbm>>
      tpu.enqueue_dma source(%arg13 : memref<128x128xi32, #tpu.memory_space<vmem>>) target(%dma_start3A_142 : memref<128x128xi32, #tpu.memory_space<hbm>>) target_semaphore(%run_scoped3A : memref<!tpu.dma_semaphore, #tpu.memory_space<semaphore_mem>>)
      %dma_wait3A_143 = arith.constant 0 : i32
      %dma_wait3A_144 = tpu.memref_slice %arg7[%add3A_92, %dma_wait3A_143] : memref<16384x128xi32, #tpu.memory_space<hbm>> -> memref<128x128xi32, #tpu.memory_space<hbm>>
      %dma_wait3A_145 = arith.constant 0 : i32
      %dma_wait3A_146 = tpu.memref_slice %arg7[%add3A_92, %dma_wait3A_145] : memref<16384x128xi32, #tpu.memory_space<hbm>> -> memref<128x128xi32, #tpu.memory_space<hbm>>
      tpu.wait_dma2 semaphore(%run_scoped3A : memref<!tpu.dma_semaphore, #tpu.memory_space<semaphore_mem>>) src(%arg13 : memref<128x128xi32, #tpu.memory_space<vmem>>) dst(%dma_wait3A_146 : memref<128x128xi32, #tpu.memory_space<hbm>>)
      tpu.yield
    }) : () -> ()
    %dma_start3A_93 = arith.constant 3 : i32
    %dma_start3A_94 = arith.constant 0 : i32
    %dma_start3A_95 = tpu.memref_slice %arg8[%dma_start3A_93, %dma_start3A_94] : memref<4x128xi32, #tpu.memory_space<vmem>> -> memref<1x128xi32, #tpu.memory_space<vmem>>
    %dma_start3A_96 = tpu.memref_squeeze %dma_start3A_95 : memref<1x128xi32, #tpu.memory_space<vmem>> -> memref<128xi32, #tpu.memory_space<vmem>>
    %dma_start3A_97 = arith.constant 0 : i32
    %dma_start3A_98 = arith.constant 0 : i32
    %dma_start3A_99 = tpu.memref_slice %arg4[%dma_start3A_97, %dma_start3A_98] : memref<256000x128xi32, #tpu.memory_space<hbm>> -> memref<256000x128xi32, #tpu.memory_space<hbm>>
    tpu.enqueue_indirect_dma source(%dma_start3A_99 : memref<256000x128xi32, #tpu.memory_space<hbm>>) target(%arg11 : memref<128x128xi32, #tpu.memory_space<vmem>>) offsets(%dma_start3A_96 : memref<128xi32, #tpu.memory_space<vmem>>) semaphore(%arg15 : memref<!tpu.dma_semaphore, #tpu.memory_space<semaphore_mem>>)
    %dma_start3A_100 = arith.constant 3 : i32
    %dma_start3A_101 = arith.constant 0 : i32
    %dma_start3A_102 = tpu.memref_slice %arg9[%dma_start3A_100, %dma_start3A_101] : memref<4x128xi32, #tpu.memory_space<vmem>> -> memref<1x128xi32, #tpu.memory_space<vmem>>
    %dma_start3A_103 = tpu.memref_squeeze %dma_start3A_102 : memref<1x128xi32, #tpu.memory_space<vmem>> -> memref<128xi32, #tpu.memory_space<vmem>>
    %dma_start3A_104 = arith.constant 0 : i32
    %dma_start3A_105 = arith.constant 0 : i32
    %dma_start3A_106 = tpu.memref_slice %arg5[%dma_start3A_104, %dma_start3A_105] : memref<25600x128xi32, #tpu.memory_space<hbm>> -> memref<25600x128xi32, #tpu.memory_space<hbm>>
    tpu.enqueue_indirect_dma source(%dma_start3A_106 : memref<25600x128xi32, #tpu.memory_space<hbm>>) target(%arg13 : memref<128x128xi32, #tpu.memory_space<vmem>>) offsets(%dma_start3A_103 : memref<128xi32, #tpu.memory_space<vmem>>) semaphore(%arg17 : memref<!tpu.dma_semaphore, #tpu.memory_space<semaphore_mem>>)
    %dma_wait3A_107 = arith.constant 2 : i32
    %dma_wait3A_108 = arith.constant 0 : i32
    %dma_wait3A_109 = tpu.memref_slice %arg8[%dma_wait3A_107, %dma_wait3A_108] : memref<4x128xi32, #tpu.memory_space<vmem>> -> memref<1x128xi32, #tpu.memory_space<vmem>>
    %dma_wait3A_110 = tpu.memref_squeeze %dma_wait3A_109 : memref<1x128xi32, #tpu.memory_space<vmem>> -> memref<128xi32, #tpu.memory_space<vmem>>
    %dma_wait3A_111 = arith.constant 0 : i32
    %dma_wait3A_112 = arith.constant 0 : i32
    %dma_wait3A_113 = tpu.memref_slice %arg4[%dma_wait3A_111, %dma_wait3A_112] : memref<256000x128xi32, #tpu.memory_space<hbm>> -> memref<256000x128xi32, #tpu.memory_space<hbm>>
    tpu.wait_indirect_dma semaphore(%arg14 : memref<!tpu.dma_semaphore, #tpu.memory_space<semaphore_mem>>) src(%dma_wait3A_113 : memref<256000x128xi32, #tpu.memory_space<hbm>>) dst(%arg10 : memref<128x128xi32, #tpu.memory_space<vmem>>)
    %dma_wait3A_114 = arith.constant 2 : i32
    %dma_wait3A_115 = arith.constant 0 : i32
    %dma_wait3A_116 = tpu.memref_slice %arg9[%dma_wait3A_114, %dma_wait3A_115] : memref<4x128xi32, #tpu.memory_space<vmem>> -> memref<1x128xi32, #tpu.memory_space<vmem>>
    %dma_wait3A_117 = tpu.memref_squeeze %dma_wait3A_116 : memref<1x128xi32, #tpu.memory_space<vmem>> -> memref<128xi32, #tpu.memory_space<vmem>>
    %dma_wait3A_118 = arith.constant 0 : i32
    %dma_wait3A_119 = arith.constant 0 : i32
    %dma_wait3A_120 = tpu.memref_slice %arg5[%dma_wait3A_118, %dma_wait3A_119] : memref<25600x128xi32, #tpu.memory_space<hbm>> -> memref<25600x128xi32, #tpu.memory_space<hbm>>
    tpu.wait_indirect_dma semaphore(%arg16 : memref<!tpu.dma_semaphore, #tpu.memory_space<semaphore_mem>>) src(%dma_wait3A_120 : memref<25600x128xi32, #tpu.memory_space<hbm>>) dst(%arg12 : memref<128x128xi32, #tpu.memory_space<vmem>>)
    %add3A_121 = arith.constant 256 : i32
    %add3A_122 = arith.addi %mul3A_2, %add3A_121 : i32
    "tpu.region"() ({
      %run_scoped3A = tpu.sem_alloc : memref<!tpu.dma_semaphore, #tpu.memory_space<semaphore_mem>>
      %dma_start3A_139 = arith.constant 0 : i32
      %dma_start3A_140 = tpu.memref_slice %arg6[%add3A_122, %dma_start3A_139] : memref<16384x128xi32, #tpu.memory_space<hbm>> -> memref<128x128xi32, #tpu.memory_space<hbm>>
      %dma_start3A_141 = arith.constant 0 : i32
      %dma_start3A_142 = tpu.memref_slice %arg6[%add3A_122, %dma_start3A_141] : memref<16384x128xi32, #tpu.memory_space<hbm>> -> memref<128x128xi32, #tpu.memory_space<hbm>>
      tpu.enqueue_dma source(%arg10 : memref<128x128xi32, #tpu.memory_space<vmem>>) target(%dma_start3A_142 : memref<128x128xi32, #tpu.memory_space<hbm>>) target_semaphore(%run_scoped3A : memref<!tpu.dma_semaphore, #tpu.memory_space<semaphore_mem>>)
      %dma_wait3A_143 = arith.constant 0 : i32
      %dma_wait3A_144 = tpu.memref_slice %arg6[%add3A_122, %dma_wait3A_143] : memref<16384x128xi32, #tpu.memory_space<hbm>> -> memref<128x128xi32, #tpu.memory_space<hbm>>
      %dma_wait3A_145 = arith.constant 0 : i32
      %dma_wait3A_146 = tpu.memref_slice %arg6[%add3A_122, %dma_wait3A_145] : memref<16384x128xi32, #tpu.memory_space<hbm>> -> memref<128x128xi32, #tpu.memory_space<hbm>>
      tpu.wait_dma2 semaphore(%run_scoped3A : memref<!tpu.dma_semaphore, #tpu.memory_space<semaphore_mem>>) src(%arg10 : memref<128x128xi32, #tpu.memory_space<vmem>>) dst(%dma_wait3A_146 : memref<128x128xi32, #tpu.memory_space<hbm>>)
      tpu.yield
    }) : () -> ()
    "tpu.region"() ({
      %run_scoped3A = tpu.sem_alloc : memref<!tpu.dma_semaphore, #tpu.memory_space<semaphore_mem>>
      %dma_start3A_139 = arith.constant 0 : i32
      %dma_start3A_140 = tpu.memref_slice %arg7[%add3A_122, %dma_start3A_139] : memref<16384x128xi32, #tpu.memory_space<hbm>> -> memref<128x128xi32, #tpu.memory_space<hbm>>
      %dma_start3A_141 = arith.constant 0 : i32
      %dma_start3A_142 = tpu.memref_slice %arg7[%add3A_122, %dma_start3A_141] : memref<16384x128xi32, #tpu.memory_space<hbm>> -> memref<128x128xi32, #tpu.memory_space<hbm>>
      tpu.enqueue_dma source(%arg12 : memref<128x128xi32, #tpu.memory_space<vmem>>) target(%dma_start3A_142 : memref<128x128xi32, #tpu.memory_space<hbm>>) target_semaphore(%run_scoped3A : memref<!tpu.dma_semaphore, #tpu.memory_space<semaphore_mem>>)
      %dma_wait3A_143 = arith.constant 0 : i32
      %dma_wait3A_144 = tpu.memref_slice %arg7[%add3A_122, %dma_wait3A_143] : memref<16384x128xi32, #tpu.memory_space<hbm>> -> memref<128x128xi32, #tpu.memory_space<hbm>>
      %dma_wait3A_145 = arith.constant 0 : i32
      %dma_wait3A_146 = tpu.memref_slice %arg7[%add3A_122, %dma_wait3A_145] : memref<16384x128xi32, #tpu.memory_space<hbm>> -> memref<128x128xi32, #tpu.memory_space<hbm>>
      tpu.wait_dma2 semaphore(%run_scoped3A : memref<!tpu.dma_semaphore, #tpu.memory_space<semaphore_mem>>) src(%arg12 : memref<128x128xi32, #tpu.memory_space<vmem>>) dst(%dma_wait3A_146 : memref<128x128xi32, #tpu.memory_space<hbm>>)
      tpu.yield
    }) : () -> ()
    %dma_wait3A_123 = arith.constant 3 : i32
    %dma_wait3A_124 = arith.constant 0 : i32
    %dma_wait3A_125 = tpu.memref_slice %arg8[%dma_wait3A_123, %dma_wait3A_124] : memref<4x128xi32, #tpu.memory_space<vmem>> -> memref<1x128xi32, #tpu.memory_space<vmem>>
    %dma_wait3A_126 = tpu.memref_squeeze %dma_wait3A_125 : memref<1x128xi32, #tpu.memory_space<vmem>> -> memref<128xi32, #tpu.memory_space<vmem>>
    %dma_wait3A_127 = arith.constant 0 : i32
    %dma_wait3A_128 = arith.constant 0 : i32
    %dma_wait3A_129 = tpu.memref_slice %arg4[%dma_wait3A_127, %dma_wait3A_128] : memref<256000x128xi32, #tpu.memory_space<hbm>> -> memref<256000x128xi32, #tpu.memory_space<hbm>>
    tpu.wait_indirect_dma semaphore(%arg15 : memref<!tpu.dma_semaphore, #tpu.memory_space<semaphore_mem>>) src(%dma_wait3A_129 : memref<256000x128xi32, #tpu.memory_space<hbm>>) dst(%arg11 : memref<128x128xi32, #tpu.memory_space<vmem>>)
    %dma_wait3A_130 = arith.constant 3 : i32
    %dma_wait3A_131 = arith.constant 0 : i32
    %dma_wait3A_132 = tpu.memref_slice %arg9[%dma_wait3A_130, %dma_wait3A_131] : memref<4x128xi32, #tpu.memory_space<vmem>> -> memref<1x128xi32, #tpu.memory_space<vmem>>
    %dma_wait3A_133 = tpu.memref_squeeze %dma_wait3A_132 : memref<1x128xi32, #tpu.memory_space<vmem>> -> memref<128xi32, #tpu.memory_space<vmem>>
    %dma_wait3A_134 = arith.constant 0 : i32
    %dma_wait3A_135 = arith.constant 0 : i32
    %dma_wait3A_136 = tpu.memref_slice %arg5[%dma_wait3A_134, %dma_wait3A_135] : memref<25600x128xi32, #tpu.memory_space<hbm>> -> memref<25600x128xi32, #tpu.memory_space<hbm>>
    tpu.wait_indirect_dma semaphore(%arg17 : memref<!tpu.dma_semaphore, #tpu.memory_space<semaphore_mem>>) src(%dma_wait3A_136 : memref<25600x128xi32, #tpu.memory_space<hbm>>) dst(%arg13 : memref<128x128xi32, #tpu.memory_space<vmem>>)
    %add3A_137 = arith.constant 384 : i32
    %add3A_138 = arith.addi %mul3A_2, %add3A_137 : i32
    "tpu.region"() ({
      %run_scoped3A = tpu.sem_alloc : memref<!tpu.dma_semaphore, #tpu.memory_space<semaphore_mem>>
      %dma_start3A_139 = arith.constant 0 : i32
      %dma_start3A_140 = tpu.memref_slice %arg6[%add3A_138, %dma_start3A_139] : memref<16384x128xi32, #tpu.memory_space<hbm>> -> memref<128x128xi32, #tpu.memory_space<hbm>>
      %dma_start3A_141 = arith.constant 0 : i32
      %dma_start3A_142 = tpu.memref_slice %arg6[%add3A_138, %dma_start3A_141] : memref<16384x128xi32, #tpu.memory_space<hbm>> -> memref<128x128xi32, #tpu.memory_space<hbm>>
      tpu.enqueue_dma source(%arg11 : memref<128x128xi32, #tpu.memory_space<vmem>>) target(%dma_start3A_142 : memref<128x128xi32, #tpu.memory_space<hbm>>) target_semaphore(%run_scoped3A : memref<!tpu.dma_semaphore, #tpu.memory_space<semaphore_mem>>)
      %dma_wait3A_143 = arith.constant 0 : i32
      %dma_wait3A_144 = tpu.memref_slice %arg6[%add3A_138, %dma_wait3A_143] : memref<16384x128xi32, #tpu.memory_space<hbm>> -> memref<128x128xi32, #tpu.memory_space<hbm>>
      %dma_wait3A_145 = arith.constant 0 : i32
      %dma_wait3A_146 = tpu.memref_slice %arg6[%add3A_138, %dma_wait3A_145] : memref<16384x128xi32, #tpu.memory_space<hbm>> -> memref<128x128xi32, #tpu.memory_space<hbm>>
      tpu.wait_dma2 semaphore(%run_scoped3A : memref<!tpu.dma_semaphore, #tpu.memory_space<semaphore_mem>>) src(%arg11 : memref<128x128xi32, #tpu.memory_space<vmem>>) dst(%dma_wait3A_146 : memref<128x128xi32, #tpu.memory_space<hbm>>)
      tpu.yield
    }) : () -> ()
    "tpu.region"() ({
      %run_scoped3A = tpu.sem_alloc : memref<!tpu.dma_semaphore, #tpu.memory_space<semaphore_mem>>
      %dma_start3A_139 = arith.constant 0 : i32
      %dma_start3A_140 = tpu.memref_slice %arg7[%add3A_138, %dma_start3A_139] : memref<16384x128xi32, #tpu.memory_space<hbm>> -> memref<128x128xi32, #tpu.memory_space<hbm>>
      %dma_start3A_141 = arith.constant 0 : i32
      %dma_start3A_142 = tpu.memref_slice %arg7[%add3A_138, %dma_start3A_141] : memref<16384x128xi32, #tpu.memory_space<hbm>> -> memref<128x128xi32, #tpu.memory_space<hbm>>
      tpu.enqueue_dma source(%arg13 : memref<128x128xi32, #tpu.memory_space<vmem>>) target(%dma_start3A_142 : memref<128x128xi32, #tpu.memory_space<hbm>>) target_semaphore(%run_scoped3A : memref<!tpu.dma_semaphore, #tpu.memory_space<semaphore_mem>>)
      %dma_wait3A_143 = arith.constant 0 : i32
      %dma_wait3A_144 = tpu.memref_slice %arg7[%add3A_138, %dma_wait3A_143] : memref<16384x128xi32, #tpu.memory_space<hbm>> -> memref<128x128xi32, #tpu.memory_space<hbm>>
      %dma_wait3A_145 = arith.constant 0 : i32
      %dma_wait3A_146 = tpu.memref_slice %arg7[%add3A_138, %dma_wait3A_145] : memref<16384x128xi32, #tpu.memory_space<hbm>> -> memref<128x128xi32, #tpu.memory_space<hbm>>
      tpu.wait_dma2 semaphore(%run_scoped3A : memref<!tpu.dma_semaphore, #tpu.memory_space<semaphore_mem>>) src(%arg13 : memref<128x128xi32, #tpu.memory_space<vmem>>) dst(%dma_wait3A_146 : memref<128x128xi32, #tpu.memory_space<hbm>>)
      tpu.yield
    }) : () -> ()
    return
  }
}

module attributes {stable_mosaic.version = 14 : i64} {
  func.func @_pack_body(%arg0: i32, %arg1: memref<64x6400xf32, #tpu.memory_space<vmem>>, %arg2: memref<64x6400xf32, #tpu.memory_space<vmem>>, %arg3: memref<64x6400xf32, #tpu.memory_space<vmem>>, %arg4: memref<64x6400xf32, #tpu.memory_space<vmem>>, %arg5: memref<6400x128xi32, #tpu.memory_space<vmem>>) attributes {dimension_semantics = [#tpu.dimension_semantics<arbitrary>], iteration_bounds = array<i64: 4>, scalar_prefetch = 0 : i64, scratch_operands = 0 : i64, tpu.core_type = #tpu.core_type<tc>, window_params = [{transform_indices = @transform_0, window_bounds = array<i64: 64, 6400>}, {transform_indices = @transform_1, window_bounds = array<i64: 64, 6400>}, {transform_indices = @transform_2, window_bounds = array<i64: 64, 6400>}, {transform_indices = @transform_3, window_bounds = array<i64: 64, 6400>}, {transform_indices = @transform_4, window_bounds = array<i64: 6400, 128>}]} {
    %get3A = arith.constant 0 : index
    %get3A_0 = arith.constant 0 : index
    %get3A_1 = vector.load %arg1[%get3A, %get3A_0] : memref<64x6400xf32, #tpu.memory_space<vmem>>, vector<64x6400xf32>
    %transpose3A = tpu.transpose %get3A_1, [1, 0] : vector<64x6400xf32> -> vector<6400x64xf32>
    %bitcast_convert_type3A = tpu.bitcast %transpose3A : vector<6400x64xf32> -> vector<6400x64xi32>
    %add3A = arith.constant 32768 : i32
    %add3A_2 = vector.broadcast %add3A : i32 to vector<6400x64xi32>
    %add3A_3 = arith.addi %bitcast_convert_type3A, %add3A_2 : vector<6400x64xi32>
    %shift_right_logical3A = arith.constant 16 : i32
    %shift_right_logical3A_4 = vector.broadcast %shift_right_logical3A : i32 to vector<6400x64xi32>
    %shift_right_logical3A_5 = arith.shrui %add3A_3, %shift_right_logical3A_4 : vector<6400x64xi32>
    %get3A_6 = arith.constant 0 : index
    %get3A_7 = arith.constant 0 : index
    %get3A_8 = vector.load %arg2[%get3A_6, %get3A_7] : memref<64x6400xf32, #tpu.memory_space<vmem>>, vector<64x6400xf32>
    %transpose3A_9 = tpu.transpose %get3A_8, [1, 0] : vector<64x6400xf32> -> vector<6400x64xf32>
    %bitcast_convert_type3A_10 = tpu.bitcast %transpose3A_9 : vector<6400x64xf32> -> vector<6400x64xi32>
    %add3A_11 = arith.constant 32768 : i32
    %add3A_12 = vector.broadcast %add3A_11 : i32 to vector<6400x64xi32>
    %add3A_13 = arith.addi %bitcast_convert_type3A_10, %add3A_12 : vector<6400x64xi32>
    %shift_right_logical3A_14 = arith.constant 16 : i32
    %shift_right_logical3A_15 = vector.broadcast %shift_right_logical3A_14 : i32 to vector<6400x64xi32>
    %shift_right_logical3A_16 = arith.shrui %add3A_13, %shift_right_logical3A_15 : vector<6400x64xi32>
    %get3A_17 = arith.constant 0 : index
    %get3A_18 = arith.constant 0 : index
    %get3A_19 = vector.load %arg3[%get3A_17, %get3A_18] : memref<64x6400xf32, #tpu.memory_space<vmem>>, vector<64x6400xf32>
    %transpose3A_20 = tpu.transpose %get3A_19, [1, 0] : vector<64x6400xf32> -> vector<6400x64xf32>
    %bitcast_convert_type3A_21 = tpu.bitcast %transpose3A_20 : vector<6400x64xf32> -> vector<6400x64xi32>
    %add3A_22 = arith.constant 32768 : i32
    %add3A_23 = vector.broadcast %add3A_22 : i32 to vector<6400x64xi32>
    %add3A_24 = arith.addi %bitcast_convert_type3A_21, %add3A_23 : vector<6400x64xi32>
    %shift_right_logical3A_25 = arith.constant 16 : i32
    %shift_right_logical3A_26 = vector.broadcast %shift_right_logical3A_25 : i32 to vector<6400x64xi32>
    %shift_right_logical3A_27 = arith.shrui %add3A_24, %shift_right_logical3A_26 : vector<6400x64xi32>
    %get3A_28 = arith.constant 0 : index
    %get3A_29 = arith.constant 0 : index
    %get3A_30 = vector.load %arg4[%get3A_28, %get3A_29] : memref<64x6400xf32, #tpu.memory_space<vmem>>, vector<64x6400xf32>
    %transpose3A_31 = tpu.transpose %get3A_30, [1, 0] : vector<64x6400xf32> -> vector<6400x64xf32>
    %bitcast_convert_type3A_32 = tpu.bitcast %transpose3A_31 : vector<6400x64xf32> -> vector<6400x64xi32>
    %add3A_33 = arith.constant 32768 : i32
    %add3A_34 = vector.broadcast %add3A_33 : i32 to vector<6400x64xi32>
    %add3A_35 = arith.addi %bitcast_convert_type3A_32, %add3A_34 : vector<6400x64xi32>
    %shift_right_logical3A_36 = arith.constant 16 : i32
    %shift_right_logical3A_37 = vector.broadcast %shift_right_logical3A_36 : i32 to vector<6400x64xi32>
    %shift_right_logical3A_38 = arith.shrui %add3A_35, %shift_right_logical3A_37 : vector<6400x64xi32>
    %shift_left3A = arith.constant 16 : i32
    %shift_left3A_39 = vector.broadcast %shift_left3A : i32 to vector<6400x64xi32>
    %shift_left3A_40 = arith.shli %shift_right_logical3A_16, %shift_left3A_39 : vector<6400x64xi32>
    %or3A = arith.ori %shift_right_logical3A_5, %shift_left3A_40 : vector<6400x64xi32>
    %shift_left3A_41 = arith.constant 16 : i32
    %shift_left3A_42 = vector.broadcast %shift_left3A_41 : i32 to vector<6400x64xi32>
    %shift_left3A_43 = arith.shli %shift_right_logical3A_38, %shift_left3A_42 : vector<6400x64xi32>
    %or3A_44 = arith.ori %shift_right_logical3A_27, %shift_left3A_43 : vector<6400x64xi32>
    %concatenate3A = tpu.concatenate %or3A, %or3A_44 in 1 : vector<6400x64xi32>, vector<6400x64xi32> -> vector<6400x128xi32>
    %swap3A = arith.constant 0 : index
    %swap3A_45 = arith.constant 0 : index
    %swap3A_46 = vector.load %arg5[%swap3A, %swap3A_45] : memref<6400x128xi32, #tpu.memory_space<vmem>>, vector<6400x128xi32>
    tpu.vector_store %arg5[%swap3A, %swap3A_45], %concatenate3A {strides = array<i32>} : memref<6400x128xi32, #tpu.memory_space<vmem>>, vector<6400x128xi32>,
    return
  }
  func.func @transform_0(%arg0: i32) -> (i32, i32) {
    %c0_i32 = arith.constant 0 : i32
    %c0_i32_0 = arith.constant 0 : i32
    return %c0_i32, %arg0 : i32, i32
  }
  func.func @transform_1(%arg0: i32) -> (i32, i32) {
    %add3A = arith.constant 4 : i32
    %add3A_0 = arith.addi %add3A, %arg0 : i32
    %min3A = arith.constant 15 : i32
    %min3A_1 = arith.minsi %add3A_0, %min3A : i32
    %c0_i32 = arith.constant 0 : i32
    %c0_i32_2 = arith.constant 0 : i32
    return %c0_i32, %min3A_1 : i32, i32
  }
  func.func @transform_2(%arg0: i32) -> (i32, i32) {
    %add3A = arith.constant 8 : i32
    %add3A_0 = arith.addi %add3A, %arg0 : i32
    %min3A = arith.constant 15 : i32
    %min3A_1 = arith.minsi %add3A_0, %min3A : i32
    %c0_i32 = arith.constant 0 : i32
    %c0_i32_2 = arith.constant 0 : i32
    return %c0_i32, %min3A_1 : i32, i32
  }
  func.func @transform_3(%arg0: i32) -> (i32, i32) {
    %add3A = arith.constant 12 : i32
    %add3A_0 = arith.addi %add3A, %arg0 : i32
    %min3A = arith.constant 15 : i32
    %min3A_1 = arith.minsi %add3A_0, %min3A : i32
    %c0_i32 = arith.constant 0 : i32
    %c0_i32_2 = arith.constant 0 : i32
    return %c0_i32, %min3A_1 : i32, i32
  }
  func.func @transform_4(%arg0: i32) -> (i32, i32) {
    %c0_i32 = arith.constant 0 : i32
    %c0_i32_0 = arith.constant 0 : i32
    return %arg0, %c0_i32 : i32, i32
  }
}

module attributes {stable_mosaic.version = 14 : i64} {
  func.func @_pack_body(%arg0: i32, %arg1: memref<64x6400xf32, #tpu.memory_space<vmem>>, %arg2: memref<64x6400xf32, #tpu.memory_space<vmem>>, %arg3: memref<64x6400xf32, #tpu.memory_space<vmem>>, %arg4: memref<64x6400xf32, #tpu.memory_space<vmem>>, %arg5: memref<6400x128xi32, #tpu.memory_space<vmem>>) attributes {dimension_semantics = [#tpu.dimension_semantics<arbitrary>], iteration_bounds = array<i64: 40>, scalar_prefetch = 0 : i64, scratch_operands = 0 : i64, tpu.core_type = #tpu.core_type<tc>, window_params = [{transform_indices = @transform_0, window_bounds = array<i64: 64, 6400>}, {transform_indices = @transform_1, window_bounds = array<i64: 64, 6400>}, {transform_indices = @transform_2, window_bounds = array<i64: 64, 6400>}, {transform_indices = @transform_3, window_bounds = array<i64: 64, 6400>}, {transform_indices = @transform_4, window_bounds = array<i64: 6400, 128>}]} {
    %get3A = arith.constant 0 : index
    %get3A_0 = arith.constant 0 : index
    %get3A_1 = vector.load %arg1[%get3A, %get3A_0] : memref<64x6400xf32, #tpu.memory_space<vmem>>, vector<64x6400xf32>
    %transpose3A = tpu.transpose %get3A_1, [1, 0] : vector<64x6400xf32> -> vector<6400x64xf32>
    %bitcast_convert_type3A = tpu.bitcast %transpose3A : vector<6400x64xf32> -> vector<6400x64xi32>
    %add3A = arith.constant 32768 : i32
    %add3A_2 = vector.broadcast %add3A : i32 to vector<6400x64xi32>
    %add3A_3 = arith.addi %bitcast_convert_type3A, %add3A_2 : vector<6400x64xi32>
    %shift_right_logical3A = arith.constant 16 : i32
    %shift_right_logical3A_4 = vector.broadcast %shift_right_logical3A : i32 to vector<6400x64xi32>
    %shift_right_logical3A_5 = arith.shrui %add3A_3, %shift_right_logical3A_4 : vector<6400x64xi32>
    %get3A_6 = arith.constant 0 : index
    %get3A_7 = arith.constant 0 : index
    %get3A_8 = vector.load %arg2[%get3A_6, %get3A_7] : memref<64x6400xf32, #tpu.memory_space<vmem>>, vector<64x6400xf32>
    %transpose3A_9 = tpu.transpose %get3A_8, [1, 0] : vector<64x6400xf32> -> vector<6400x64xf32>
    %bitcast_convert_type3A_10 = tpu.bitcast %transpose3A_9 : vector<6400x64xf32> -> vector<6400x64xi32>
    %add3A_11 = arith.constant 32768 : i32
    %add3A_12 = vector.broadcast %add3A_11 : i32 to vector<6400x64xi32>
    %add3A_13 = arith.addi %bitcast_convert_type3A_10, %add3A_12 : vector<6400x64xi32>
    %shift_right_logical3A_14 = arith.constant 16 : i32
    %shift_right_logical3A_15 = vector.broadcast %shift_right_logical3A_14 : i32 to vector<6400x64xi32>
    %shift_right_logical3A_16 = arith.shrui %add3A_13, %shift_right_logical3A_15 : vector<6400x64xi32>
    %get3A_17 = arith.constant 0 : index
    %get3A_18 = arith.constant 0 : index
    %get3A_19 = vector.load %arg3[%get3A_17, %get3A_18] : memref<64x6400xf32, #tpu.memory_space<vmem>>, vector<64x6400xf32>
    %transpose3A_20 = tpu.transpose %get3A_19, [1, 0] : vector<64x6400xf32> -> vector<6400x64xf32>
    %bitcast_convert_type3A_21 = tpu.bitcast %transpose3A_20 : vector<6400x64xf32> -> vector<6400x64xi32>
    %add3A_22 = arith.constant 32768 : i32
    %add3A_23 = vector.broadcast %add3A_22 : i32 to vector<6400x64xi32>
    %add3A_24 = arith.addi %bitcast_convert_type3A_21, %add3A_23 : vector<6400x64xi32>
    %shift_right_logical3A_25 = arith.constant 16 : i32
    %shift_right_logical3A_26 = vector.broadcast %shift_right_logical3A_25 : i32 to vector<6400x64xi32>
    %shift_right_logical3A_27 = arith.shrui %add3A_24, %shift_right_logical3A_26 : vector<6400x64xi32>
    %get3A_28 = arith.constant 0 : index
    %get3A_29 = arith.constant 0 : index
    %get3A_30 = vector.load %arg4[%get3A_28, %get3A_29] : memref<64x6400xf32, #tpu.memory_space<vmem>>, vector<64x6400xf32>
    %transpose3A_31 = tpu.transpose %get3A_30, [1, 0] : vector<64x6400xf32> -> vector<6400x64xf32>
    %bitcast_convert_type3A_32 = tpu.bitcast %transpose3A_31 : vector<6400x64xf32> -> vector<6400x64xi32>
    %add3A_33 = arith.constant 32768 : i32
    %add3A_34 = vector.broadcast %add3A_33 : i32 to vector<6400x64xi32>
    %add3A_35 = arith.addi %bitcast_convert_type3A_32, %add3A_34 : vector<6400x64xi32>
    %shift_right_logical3A_36 = arith.constant 16 : i32
    %shift_right_logical3A_37 = vector.broadcast %shift_right_logical3A_36 : i32 to vector<6400x64xi32>
    %shift_right_logical3A_38 = arith.shrui %add3A_35, %shift_right_logical3A_37 : vector<6400x64xi32>
    %shift_left3A = arith.constant 16 : i32
    %shift_left3A_39 = vector.broadcast %shift_left3A : i32 to vector<6400x64xi32>
    %shift_left3A_40 = arith.shli %shift_right_logical3A_16, %shift_left3A_39 : vector<6400x64xi32>
    %or3A = arith.ori %shift_right_logical3A_5, %shift_left3A_40 : vector<6400x64xi32>
    %shift_left3A_41 = arith.constant 16 : i32
    %shift_left3A_42 = vector.broadcast %shift_left3A_41 : i32 to vector<6400x64xi32>
    %shift_left3A_43 = arith.shli %shift_right_logical3A_38, %shift_left3A_42 : vector<6400x64xi32>
    %or3A_44 = arith.ori %shift_right_logical3A_27, %shift_left3A_43 : vector<6400x64xi32>
    %concatenate3A = tpu.concatenate %or3A, %or3A_44 in 1 : vector<6400x64xi32>, vector<6400x64xi32> -> vector<6400x128xi32>
    %swap3A = arith.constant 0 : index
    %swap3A_45 = arith.constant 0 : index
    %swap3A_46 = vector.load %arg5[%swap3A, %swap3A_45] : memref<6400x128xi32, #tpu.memory_space<vmem>>, vector<6400x128xi32>
    tpu.vector_store %arg5[%swap3A, %swap3A_45], %concatenate3A {strides = array<i32>} : memref<6400x128xi32, #tpu.memory_space<vmem>>, vector<6400x128xi32>,
    return
  }
  func.func @transform_0(%arg0: i32) -> (i32, i32) {
    %c0_i32 = arith.constant 0 : i32
    %c0_i32_0 = arith.constant 0 : i32
    return %c0_i32, %arg0 : i32, i32
  }
  func.func @transform_1(%arg0: i32) -> (i32, i32) {
    %add3A = arith.constant 40 : i32
    %add3A_0 = arith.addi %add3A, %arg0 : i32
    %min3A = arith.constant 156 : i32
    %min3A_1 = arith.minsi %add3A_0, %min3A : i32
    %c0_i32 = arith.constant 0 : i32
    %c0_i32_2 = arith.constant 0 : i32
    return %c0_i32, %min3A_1 : i32, i32
  }
  func.func @transform_2(%arg0: i32) -> (i32, i32) {
    %add3A = arith.constant 80 : i32
    %add3A_0 = arith.addi %add3A, %arg0 : i32
    %min3A = arith.constant 156 : i32
    %min3A_1 = arith.minsi %add3A_0, %min3A : i32
    %c0_i32 = arith.constant 0 : i32
    %c0_i32_2 = arith.constant 0 : i32
    return %c0_i32, %min3A_1 : i32, i32
  }
  func.func @transform_3(%arg0: i32) -> (i32, i32) {
    %add3A = arith.constant 120 : i32
    %add3A_0 = arith.addi %add3A, %arg0 : i32
    %min3A = arith.constant 156 : i32
    %min3A_1 = arith.minsi %add3A_0, %min3A : i32
    %c0_i32 = arith.constant 0 : i32
    %c0_i32_2 = arith.constant 0 : i32
    return %c0_i32, %min3A_1 : i32, i32
  }
  func.func @transform_4(%arg0: i32) -> (i32, i32) {
    %c0_i32 = arith.constant 0 : i32
    %c0_i32_0 = arith.constant 0 : i32
    return %arg0, %c0_i32 : i32, i32
  }
}

module attributes {stable_mosaic.version = 14 : i64} {
  func.func @_mlp_body(%arg0: i32, %arg1: memref<4096x128xi32, #tpu.memory_space<vmem>>, %arg2: memref<4096x128xi32, #tpu.memory_space<vmem>>, %arg3: memref<4096x2xi32, #tpu.memory_space<vmem>>, %arg4: memref<4096x2xi32, #tpu.memory_space<vmem>>, %arg5: memref<64x128xf32, #tpu.memory_space<vmem>>, %arg6: memref<64x128xf32, #tpu.memory_space<vmem>>, %arg7: memref<1x128xf32, #tpu.memory_space<vmem>>, %arg8: memref<128x1xf32, #tpu.memory_space<vmem>>, %arg9: memref<1x1xf32, #tpu.memory_space<vmem>>, %arg10: memref<4096x1xf32, #tpu.memory_space<vmem>>) attributes {dimension_semantics = [#tpu.dimension_semantics<arbitrary>], iteration_bounds = array<i64: 4>, scalar_prefetch = 0 : i64, scratch_operands = 0 : i64, tpu.core_type = #tpu.core_type<tc>, window_params = [{transform_indices = @transform_0, window_bounds = array<i64: 4096, 128>}, {transform_indices = @transform_1, window_bounds = array<i64: 4096, 128>}, {transform_indices = @transform_2, window_bounds = array<i64: 4096, 2>}, {transform_indices = @transform_3, window_bounds = array<i64: 4096, 2>}, {pipeline_mode = #tpu.pipeline_mode<synchronous>, transform_indices = @transform_4, window_bounds = array<i64: 64, 128>}, {pipeline_mode = #tpu.pipeline_mode<synchronous>, transform_indices = @transform_5, window_bounds = array<i64: 64, 128>}, {pipeline_mode = #tpu.pipeline_mode<synchronous>, transform_indices = @transform_6, window_bounds = array<i64: 1, 128>}, {pipeline_mode = #tpu.pipeline_mode<synchronous>, transform_indices = @transform_7, window_bounds = array<i64: 128, 1>}, {pipeline_mode = #tpu.pipeline_mode<synchronous>, transform_indices = @transform_8, window_bounds = array<i64: 1, 1>}, {transform_indices = @transform_9, window_bounds = array<i64: 4096, 1>}]} {
    %get3A = arith.constant 0 : index
    %get3A_0 = arith.constant 0 : index
    %get3A_1 = vector.load %arg3[%get3A, %get3A_0] : memref<4096x2xi32, #tpu.memory_space<vmem>>, vector<4096x2xi32>
    %get3A_2 = arith.constant 0 : index
    %get3A_3 = arith.constant 0 : index
    %get3A_4 = vector.load %arg4[%get3A_2, %get3A_3] : memref<4096x2xi32, #tpu.memory_space<vmem>>, vector<4096x2xi32>
    %get3A_5 = arith.constant 0 : index
    %get3A_6 = arith.constant 0 : index
    %get3A_7 = vector.load %arg1[%get3A_5, %get3A_6] : memref<4096x128xi32, #tpu.memory_space<vmem>>, vector<4096x128xi32>
    %slice3A = vector.extract_strided_slice %get3A_1 {offsets = [0, 0], sizes = [4096, 1], strides = [1, 1]} : vector<4096x2xi32> to vector<4096x1xi32>
    %slice3A_8 = vector.extract_strided_slice %get3A_1 {offsets = [0, 1], sizes = [4096, 1], strides = [1, 1]} : vector<4096x2xi32> to vector<4096x1xi32>
    %slice3A_9 = vector.extract_strided_slice %get3A_7 {offsets = [0, 64], sizes = [4096, 64], strides = [1, 1]} : vector<4096x128xi32> to vector<4096x64xi32>
    %mul3A = vector.broadcast %slice3A : vector<4096x1xi32> to vector<4096x64xi32>
    %mul3A_10 = arith.muli %slice3A_9, %mul3A : vector<4096x64xi32>
    %slice3A_11 = vector.extract_strided_slice %get3A_7 {offsets = [0, 0], sizes = [4096, 64], strides = [1, 1]} : vector<4096x128xi32> to vector<4096x64xi32>
    %sub3A = arith.constant 1 : i32
    %sub3A_12 = vector.broadcast %sub3A : i32 to vector<4096x1xi32>
    %sub3A_13 = arith.subi %sub3A_12, %slice3A : vector<4096x1xi32>
    %mul3A_14 = vector.broadcast %sub3A_13 : vector<4096x1xi32> to vector<4096x64xi32>
    %mul3A_15 = arith.muli %slice3A_11, %mul3A_14 : vector<4096x64xi32>
    %add3A = arith.addi %mul3A_10, %mul3A_15 : vector<4096x64xi32>
    %shift_left3A = arith.constant 16 : i32
    %shift_left3A_16 = vector.broadcast %shift_left3A : i32 to vector<4096x64xi32>
    %shift_left3A_17 = arith.shli %add3A, %shift_left3A_16 : vector<4096x64xi32>
    %and3A = arith.constant -65536 : i32
    %and3A_18 = vector.broadcast %and3A : i32 to vector<4096x64xi32>
    %and3A_19 = arith.andi %add3A, %and3A_18 : vector<4096x64xi32>
    %mul3A_20 = vector.broadcast %slice3A_8 : vector<4096x1xi32> to vector<4096x64xi32>
    %mul3A_21 = arith.muli %and3A_19, %mul3A_20 : vector<4096x64xi32>
    %sub3A_22 = arith.constant 1 : i32
    %sub3A_23 = vector.broadcast %sub3A_22 : i32 to vector<4096x1xi32>
    %sub3A_24 = arith.subi %sub3A_23, %slice3A_8 : vector<4096x1xi32>
    %mul3A_25 = vector.broadcast %sub3A_24 : vector<4096x1xi32> to vector<4096x64xi32>
    %mul3A_26 = arith.muli %shift_left3A_17, %mul3A_25 : vector<4096x64xi32>
    %add3A_27 = arith.addi %mul3A_21, %mul3A_26 : vector<4096x64xi32>
    %bitcast_convert_type3A = tpu.bitcast %add3A_27 : vector<4096x64xi32> -> vector<4096x64xf32>
    %get3A_28 = arith.constant 0 : index
    %get3A_29 = arith.constant 0 : index
    %get3A_30 = vector.load %arg2[%get3A_28, %get3A_29] : memref<4096x128xi32, #tpu.memory_space<vmem>>, vector<4096x128xi32>
    %slice3A_31 = vector.extract_strided_slice %get3A_4 {offsets = [0, 0], sizes = [4096, 1], strides = [1, 1]} : vector<4096x2xi32> to vector<4096x1xi32>
    %slice3A_32 = vector.extract_strided_slice %get3A_4 {offsets = [0, 1], sizes = [4096, 1], strides = [1, 1]} : vector<4096x2xi32> to vector<4096x1xi32>
    %slice3A_33 = vector.extract_strided_slice %get3A_30 {offsets = [0, 64], sizes = [4096, 64], strides = [1, 1]} : vector<4096x128xi32> to vector<4096x64xi32>
    %mul3A_34 = vector.broadcast %slice3A_31 : vector<4096x1xi32> to vector<4096x64xi32>
    %mul3A_35 = arith.muli %slice3A_33, %mul3A_34 : vector<4096x64xi32>
    %slice3A_36 = vector.extract_strided_slice %get3A_30 {offsets = [0, 0], sizes = [4096, 64], strides = [1, 1]} : vector<4096x128xi32> to vector<4096x64xi32>
    %sub3A_37 = arith.constant 1 : i32
    %sub3A_38 = vector.broadcast %sub3A_37 : i32 to vector<4096x1xi32>
    %sub3A_39 = arith.subi %sub3A_38, %slice3A_31 : vector<4096x1xi32>
    %mul3A_40 = vector.broadcast %sub3A_39 : vector<4096x1xi32> to vector<4096x64xi32>
    %mul3A_41 = arith.muli %slice3A_36, %mul3A_40 : vector<4096x64xi32>
    %add3A_42 = arith.addi %mul3A_35, %mul3A_41 : vector<4096x64xi32>
    %shift_left3A_43 = arith.constant 16 : i32
    %shift_left3A_44 = vector.broadcast %shift_left3A_43 : i32 to vector<4096x64xi32>
    %shift_left3A_45 = arith.shli %add3A_42, %shift_left3A_44 : vector<4096x64xi32>
    %and3A_46 = arith.constant -65536 : i32
    %and3A_47 = vector.broadcast %and3A_46 : i32 to vector<4096x64xi32>
    %and3A_48 = arith.andi %add3A_42, %and3A_47 : vector<4096x64xi32>
    %mul3A_49 = vector.broadcast %slice3A_32 : vector<4096x1xi32> to vector<4096x64xi32>
    %mul3A_50 = arith.muli %and3A_48, %mul3A_49 : vector<4096x64xi32>
    %sub3A_51 = arith.constant 1 : i32
    %sub3A_52 = vector.broadcast %sub3A_51 : i32 to vector<4096x1xi32>
    %sub3A_53 = arith.subi %sub3A_52, %slice3A_32 : vector<4096x1xi32>
    %mul3A_54 = vector.broadcast %sub3A_53 : vector<4096x1xi32> to vector<4096x64xi32>
    %mul3A_55 = arith.muli %shift_left3A_45, %mul3A_54 : vector<4096x64xi32>
    %add3A_56 = arith.addi %mul3A_50, %mul3A_55 : vector<4096x64xi32>
    %bitcast_convert_type3A_57 = tpu.bitcast %add3A_56 : vector<4096x64xi32> -> vector<4096x64xf32>
    %get3A_58 = arith.constant 0 : index
    %get3A_59 = arith.constant 0 : index
    %get3A_60 = vector.load %arg5[%get3A_58, %get3A_59] : memref<64x128xf32, #tpu.memory_space<vmem>>, vector<64x128xf32>
    %dot_general3A = arith.constant dense<0.000000e+00> : vector<4096x128xf32>
    %dot_general3A_61 = tpu.matmul %bitcast_convert_type3A, %get3A_60, %dot_general3A {dimension_numbers = #tpu.dot_dimension_numbers<[1], [0], [0], [1], [0, 0, 1, 1], [], []>, transpose_lhs_hint = false} : vector<4096x64xf32>, vector<64x128xf32>, vector<4096x128xf32> -> vector<4096x128xf32>
    %get3A_62 = arith.constant 0 : index
    %get3A_63 = arith.constant 0 : index
    %get3A_64 = vector.load %arg6[%get3A_62, %get3A_63] : memref<64x128xf32, #tpu.memory_space<vmem>>, vector<64x128xf32>
    %dot_general3A_65 = arith.constant dense<0.000000e+00> : vector<4096x128xf32>
    %dot_general3A_66 = tpu.matmul %bitcast_convert_type3A_57, %get3A_64, %dot_general3A_65 {dimension_numbers = #tpu.dot_dimension_numbers<[1], [0], [0], [1], [0, 0, 1, 1], [], []>, transpose_lhs_hint = false} : vector<4096x64xf32>, vector<64x128xf32>, vector<4096x128xf32> -> vector<4096x128xf32>
    %add3A_67 = arith.addf %dot_general3A_61, %dot_general3A_66 : vector<4096x128xf32>
    %get3A_68 = arith.constant 0 : index
    %get3A_69 = arith.constant 0 : index
    %get3A_70 = vector.load %arg7[%get3A_68, %get3A_69] : memref<1x128xf32, #tpu.memory_space<vmem>>, vector<1x128xf32>
    %add3A_71 = vector.broadcast %get3A_70 : vector<1x128xf32> to vector<4096x128xf32>
    %add3A_72 = arith.addf %add3A_67, %add3A_71 : vector<4096x128xf32>
    %max3A = arith.constant 0.000000e+00 : f32
    %max3A_73 = vector.broadcast %max3A : f32 to vector<4096x128xf32>
    %max3A_74 = arith.maximumf %add3A_72, %max3A_73 : vector<4096x128xf32>
    %get3A_75 = arith.constant 0 : index
    %get3A_76 = arith.constant 0 : index
    %get3A_77 = vector.load %arg8[%get3A_75, %get3A_76] : memref<128x1xf32, #tpu.memory_space<vmem>>, vector<128x1xf32>
    %dot_general3A_78 = arith.constant dense<0.000000e+00> : vector<4096x1xf32>
    %dot_general3A_79 = tpu.matmul %max3A_74, %get3A_77, %dot_general3A_78 {dimension_numbers = #tpu.dot_dimension_numbers<[1], [0], [0], [1], [0, 0, 1, 1], [], []>, transpose_lhs_hint = false} : vector<4096x128xf32>, vector<128x1xf32>, vector<4096x1xf32> -> vector<4096x1xf32>
    %get3A_80 = arith.constant 0 : index
    %get3A_81 = arith.constant 0 : index
    %get3A_82 = vector.load %arg9[%get3A_80, %get3A_81] : memref<1x1xf32, #tpu.memory_space<vmem>>, vector<1x1xf32>
    %add3A_83 = vector.broadcast %get3A_82 : vector<1x1xf32> to vector<4096x1xf32>
    %add3A_84 = arith.addf %dot_general3A_79, %add3A_83 : vector<4096x1xf32>
    %swap3A = arith.constant 0 : index
    %swap3A_85 = arith.constant 0 : index
    %swap3A_86 = vector.load %arg10[%swap3A, %swap3A_85] : memref<4096x1xf32, #tpu.memory_space<vmem>>, vector<4096x1xf32>
    tpu.vector_store %arg10[%swap3A, %swap3A_85], %add3A_84 {strides = array<i32>} : memref<4096x1xf32, #tpu.memory_space<vmem>>, vector<4096x1xf32>,
    return
  }
  func.func @transform_0(%arg0: i32) -> (i32, i32) {
    %c0_i32 = arith.constant 0 : i32
    %c0_i32_0 = arith.constant 0 : i32
    return %arg0, %c0_i32 : i32, i32
  }
  func.func @transform_1(%arg0: i32) -> (i32, i32) {
    %c0_i32 = arith.constant 0 : i32
    %c0_i32_0 = arith.constant 0 : i32
    return %arg0, %c0_i32 : i32, i32
  }
  func.func @transform_2(%arg0: i32) -> (i32, i32) {
    %c0_i32 = arith.constant 0 : i32
    %c0_i32_0 = arith.constant 0 : i32
    return %arg0, %c0_i32 : i32, i32
  }
  func.func @transform_3(%arg0: i32) -> (i32, i32) {
    %c0_i32 = arith.constant 0 : i32
    %c0_i32_0 = arith.constant 0 : i32
    return %arg0, %c0_i32 : i32, i32
  }
  func.func @transform_4(%arg0: i32) -> (i32, i32) {
    %c0_i32 = arith.constant 0 : i32
    %c0_i32_0 = arith.constant 0 : i32
    %c0_i32_1 = arith.constant 0 : i32
    return %c0_i32, %c0_i32_0 : i32, i32
  }
  func.func @transform_5(%arg0: i32) -> (i32, i32) {
    %c0_i32 = arith.constant 0 : i32
    %c0_i32_0 = arith.constant 0 : i32
    %c0_i32_1 = arith.constant 0 : i32
    return %c0_i32, %c0_i32_0 : i32, i32
  }
  func.func @transform_6(%arg0: i32) -> (i32, i32) {
    %c0_i32 = arith.constant 0 : i32
    %c0_i32_0 = arith.constant 0 : i32
    %c0_i32_1 = arith.constant 0 : i32
    return %c0_i32, %c0_i32_0 : i32, i32
  }
  func.func @transform_7(%arg0: i32) -> (i32, i32) {
    %c0_i32 = arith.constant 0 : i32
    %c0_i32_0 = arith.constant 0 : i32
    %c0_i32_1 = arith.constant 0 : i32
    return %c0_i32, %c0_i32_0 : i32, i32
  }
  func.func @transform_8(%arg0: i32) -> (i32, i32) {
    %c0_i32 = arith.constant 0 : i32
    %c0_i32_0 = arith.constant 0 : i32
    %c0_i32_1 = arith.constant 0 : i32
    return %c0_i32, %c0_i32_0 : i32, i32
  }
  func.func @transform_9(%arg0: i32) -> (i32, i32) {
    %c0_i32 = arith.constant 0 : i32
    %c0_i32_0 = arith.constant 0 : i32
    return %arg0, %c0_i32 : i32, i32
  }
}

</mosaic_0001>

<sc_bundles>
// kernel: _run.6.cloned.1.call-start
scs
__scs_entry_jumppad:
0x0: {  	(pc) =	sbr.rel $0x88, $3  }
0x1: {  	(tag) =	ssettag $0x0;
	lr =	simm.s32 $0x1  }
0x2: {  	[smem:$0x3F99] =	sst lr;
	_ =	strace $0xD0000000  }
0x3: {  	_ = 	snop  }
0x4: {  	_ = 	snop  }
0x5: {  	_ = 	snop  }
0x6: {  	_ = 	snop  }
0x7: {  	_ = 	snop  }
__scs_overlays_trampoline_lowered:
0x8: {  	[smem:$0x3FA8] =	sst s0  }
0x9: {  	[smem:$0x3FA9] =	sst s1  }
0xa: {  	[smem:$0x3FAA] =	sst s2  }
0xb: {  	[smem:$0x3FAB] =	sst s3  }
0xc: {  	[smem:$0x3FAC] =	sst s4  }
0xd: {  	[smem:$0x3FAD] =	sst s5  }
0xe: {  	[smem:$0x3FAE] =	sst s6  }
0xf: {  	[smem:$0x3FAF] =	sst s7  }
0x10: {  	[smem:$0x3FB0] =	sst s8  }
0x11: {  	[smem:$0x3FB1] =	sst s9;
	s0 =	simm.s32 @!p0 $0x0  }
0x12: {  	s1 =	sld [smem:$0x3F97];
	s0 =	simm.s32 @p0 $0x1  }
0x13: {  	[smem:$0x3FB2] =	sst s0;
	s0 =	simm.s32 @!p1 $0x0  }
0x14: {  	s2 =	sld [smem:$0x3F96];
	s0 =	simm.s32 @p1 $0x1  }
0x15: {  	[smem:$0x3FB3] =	sst s0;
	s0 =	simm.s32 @!p2 $0x0  }
0x16: {  	s3 =	sld [smem:$0x3FDB];
	s0 =	simm.s32 @p2 $0x1  }
0x17: {  	s4 =	simm.s32 $0x1BF5;
	[smem:$0x3FB5] =	sst s0  }
0x18: {  	s0 =	sld [smem:$0x3F98];
	_ =	swait.ge [sflag:s4], $0x0  }
0x19: {  	s7 =	sld [smem:$0x3F99]  }
0x1a: {  	s8 =	sadd.s32 $0xFFFFE003, lr  }
0x1b: {  	s9 =	sadd.s32 $0xFFFFFEF7, lr;
	s5 =	simm.s32 $0xFFFFFFFF;
	p2 =	slt.u32 s8, $0xFFFFF086  }
0x1c: {  	p1 =	slt.u32 s9, $0xF7A;
	s5 =	simm.s32 @!p2 $0x0  }
0x1d: {  	s5 =	simm.s32 @p1 $0x1;
	p0 =	seq.s32 s7, s2  }
0x1e: {  	s7 =	smul.u32 @!p0 $0xF7A, s2;
	p2 =	seq.s32 @!p0 s5, $0x0  }
0x1f: {  	s9 =	smul.u32 $0xF7A, s1;
	s8 =	simm.s32 @!p0 $0x1BF5;
	p2 =	por !p2, p0  }
0x20: {  	[sflag:s8] =	ssyncset.s32 @!p0 $0xFFFFF086;
	s6 =	sadd.s32 @!p0 s3, s7;
	s7 =	simm.s32 @!p0 $0x108  }
0x21: {  	s3 =	sadd.s32 s3, s9;
	s6 =	sadd.s32 @!p0 $0x88, s6;
	s7 =	simm.s32 @p2 $0x1082  }
0x22: {  	[simem:s7], [sflag:s8] =	dma.local @!p0 [hbm:s6], $0xF7A  }
0x23: {  	s9 =	sor.u32 $0xD0000000, s2;
	s6 =	simm.s32 $0x108;
	_ =	swait.ge @!p0 [sflag:s8], $0x0  }
0x24: {  	s3 =	sadd.s32 $0x88, s3;
	s6 =	simm.s32 @!p1 $0x1082;
	[sflag:s4] =	ssyncset.s32 $0xFFFFF086  }
0x25: {  	[simem:s6], [sflag:s4] =	dma.local [hbm:s3], $0xF7A  }
0x26: {  	[smem:$0x3F99] =	sst s1;
	(tag) =	ssettag s2;
	_ =	strace s9  }
0x27: {  	s1 =	sld [smem:$0x3FA9]  }
0x28: {  	s2 =	sld [smem:$0x3FAA]  }
0x29: {  	s4 =	sld [smem:$0x3FAC]  }
0x2a: {  	p0 =	seq.s32 s5, $0x0;
	s5 =	sld [smem:$0x3FAD]  }
0x2b: {  	s6 =	sld [smem:$0x3FAE]  }
0x2c: {  	s7 =	sld [smem:$0x3FAF]  }
0x2d: {  	s3 =	simm.s32 $0x108;
	s8 =	sld [smem:$0x3FB0]  }
0x2e: {  	s3 =	simm.s32 @!p0 $0x1082;
	s9 =	sld [smem:$0x3FB1]  }
0x2f: {  	lr =	sadd.s32 s0, s3;
	s0 =	sld [smem:$0x3FA8]  }
0x30: {  	s3 =	sld [smem:$0x3FAB]  }
0x31: {  	[smem:$0x3FB4] =	sst s10  }
0x32: {  	s10 =	sld [smem:$0x3FB2];
	_ =	sdelay $0x3  }
0x33: {  	p0 =	seq.s32 s10, $0x1;
	s10 =	sld [smem:$0x3FB4];
	_ =	sdelay $0x3  }
0x34: {  	[smem:$0x3FB4] =	sst s10  }
0x35: {  	s10 =	sld [smem:$0x3FB3];
	_ =	sdelay $0x3  }
0x36: {  	p1 =	seq.s32 s10, $0x1;
	s10 =	sld [smem:$0x3FB4];
	_ =	sdelay $0x3  }
0x37: {  	[smem:$0x3FB4] =	sst s10  }
0x38: {  	s10 =	sld [smem:$0x3FB5]  }
0x39: {  	_ = 	snop;
	(pc) =	sbr.ind lr, $3  }
0x3a: {  	_ = 	snop  }
0x3b: {  	_ = 	snop  }
0x3c: {  	p2 =	seq.s32 s10, $0x1;
	s10 =	sld [smem:$0x3FB4]  }
0x3d: {  	_ =	shalt  }
0x3e: {  	_ =	shalt  }
0x3f: {  	_ =	shalt  }
0x40: {  	_ =	shalt  }
0x41: {  	_ =	shalt  }
0x42: {  	_ =	shalt  }
0x43: {  	_ =	shalt  }
0x44: {  	_ =	shalt  }
0x45: {  	_ =	shalt  }
0x46: {  	_ =	shalt  }
0x47: {  	_ =	shalt  }
0x48: {  	_ =	shalt  }
0x49: {  	_ =	shalt  }
0x4a: {  	_ =	shalt  }
0x4b: {  	_ =	shalt  }
0x4c: {  	_ =	shalt  }
0x4d: {  	_ =	shalt  }
0x4e: {  	_ =	shalt  }
0x4f: {  	_ =	shalt  }
0x50: {  	_ =	shalt  }
0x51: {  	_ =	shalt  }
0x52: {  	_ =	shalt  }
0x53: {  	_ =	shalt  }
0x54: {  	_ =	shalt  }
0x55: {  	_ =	shalt  }
0x56: {  	_ =	shalt  }
0x57: {  	_ =	shalt  }
0x58: {  	_ =	shalt  }
0x59: {  	_ =	shalt  }
0x5a: {  	_ =	shalt  }
0x5b: {  	_ =	shalt  }
0x5c: {  	_ =	shalt  }
0x5d: {  	_ =	shalt  }
0x5e: {  	_ =	shalt  }
0x5f: {  	_ =	shalt  }
0x60: {  	_ =	shalt  }
0x61: {  	_ =	shalt  }
0x62: {  	_ =	shalt  }
0x63: {  	_ =	shalt  }
0x64: {  	_ =	shalt  }
0x65: {  	_ =	shalt  }
0x66: {  	_ =	shalt  }
0x67: {  	_ =	shalt  }
0x68: {  	_ =	shalt  }
0x69: {  	_ =	shalt  }
0x6a: {  	_ =	shalt  }
0x6b: {  	_ =	shalt  }
0x6c: {  	_ =	shalt  }
0x6d: {  	_ =	shalt  }
0x6e: {  	_ =	shalt  }
0x6f: {  	_ =	shalt  }
0x70: {  	_ =	shalt  }
0x71: {  	_ =	shalt  }
0x72: {  	_ =	shalt  }
0x73: {  	_ =	shalt  }
0x74: {  	_ =	shalt  }
0x75: {  	_ =	shalt  }
0x76: {  	_ =	shalt  }
0x77: {  	_ =	shalt  }
0x78: {  	_ =	shalt  }
0x79: {  	_ =	shalt  }
0x7a: {  	_ =	shalt  }
0x7b: {  	_ =	shalt  }
0x7c: {  	_ =	shalt  }
0x7d: {  	_ =	shalt  }
0x7e: {  	_ =	shalt  }
0x7f: {  	_ =	shalt  }
0x80: {  	_ =	shalt  }
0x81: {  	_ =	shalt  }
0x82: {  	_ =	shalt  }
0x83: {  	_ =	shalt  }
0x84: {  	_ =	shalt  }
0x85: {  	_ =	shalt  }
0x86: {  	_ =	shalt  }
0x87: {  	_ =	shalt  }
.Lfunc_end0:
.L_simem_size_0:
called_computation_lowered:
.L_overlay_start_0:
0x88: {  	s2 =	sld [smem:$0x3FD9]  }
0x89: {  	s3 =	sld [smem:$0x3FFE];
	_ =	sdelay $0x1  }
0x8a: {  	s1 =	srdreg.scid  }
0x8b: {  	s0 =	sand.u32 $0x1, s1  }
0x8c: {  	s17 =	sshll.u32 s0, $0xA;
	s2 =	sadd.s32 s3, s2  }
0x8d: {  	s2 =	sadd.s32 s2, s17  }
0x8e: {  	[smem:$0x3FC0] =	sst s2  }
0x8f: {  	_ = 	snop  }
0x90: {  	s2 =	sld [smem:$0x3FD0];
	(tm) =	ssettm $0x1  }
0x91: {  	s18 =	sld [smem:$0x3FFB];
	_ =	sdelay $0x3  }
0x92: {  	_ =	strace s18  }
0x93: {  	s3 =	sld [smem:$0x3FFC];
	_ =	sdelay $0x3  }
0x94: {  	_ =	strace s3  }
0x95: {  	s3 =	sld [smem:$0x3FFD];
	_ =	sdelay $0x3  }
0x96: {  	_ =	strace s3  }
0x97: {  	_ =	strace $0x8FFFFFFF  }
0x98: {  	s19 =	sld [smem:$0x3FDB];
	_ =	sdelay $0x1  }
0x99: {  	s4 =	simm.s32 $_scs_section_size  }
0x9a: {  	s5 =	simm.s32 $_size__tile_overlayer_lowered;
	s6 =	simm.s32 $_tile_overlayer_lowered  }
0x9b: {  	s22 =	simm.s32 $0x1BFF;
	s21 =	sshll.u32 s6, $0x1;
	s3 =	sadd.s32 s4, s19  }
0x9c: {  	s7 =	simm.s32 $0x0;
	s20 =	sshll.u32 s5, $0x1;
	s5 =	sadd.s32 s21, s3  }
0x9d: {  	[timem:s7], [sflag:s22] =	dma.local [hbm:s5], s20  }
0x9e: {  	_ =	swait.ge [sflag:s22], s20  }
0x9f: {  	s4 =	ssub.s32 $0x0, s20;
	[sflag:s22] =	ssyncset.done $0x0  }
0xa0: {  	[sflag:s22] =	ssyncadd.s32 s4;
	_ =	sdelay $0x1  }
0xa1: {  	s23 =	simm.s32 $0x1B8B  }
0xa2: {  	_ =	swait.ge [sflag:s23], $0x1  }
0xa3: {  	[sflag:s23] =	ssyncset.done $0x0  }
0xa4: {  	s25 =	simm.s32 $0x1B8E;
	s24 =	sld [smem:$0x3FFE];
	[sflag:s23] =	ssyncadd.s32 $0xFFFFFFFF  }
0xa5: {  	s26 =	simm.s32 $execute0_lowered;
	[smem:$0x3FD2] =	sst s25  }
0xa6: {  	s5 =	sshll.u32 s26, $0x1;
	_ =	strace $0x80000046;
	[dreg:$0x1] =	wrdreg $0xFFFFFFFF  }
0xa7: {  	s28 =	simm.s32 $_size_execute0_lowered;
	s3 =	sadd.s32 s3, s5;
	[dreg:$0x0] =	wrdreg $0x0  }
0xa8: {  	s5 =	sshll.u32 s28, $0x1;
	[dreg:$0x2] =	wrdreg s3  }
0xa9: {  	[dreg:$0x3] =	wrdreg s5  }
0xaa: {  	[dreg:$0x4] =	wrdreg $0xC0  }
0xab: {  	_ =	task [dreg:s7], $0x5FFFF  }
0xac: {  	[dreg:$0x1] =	wrdreg $0xFFFFFFFF  }
0xad: {  	[dreg:$0x0] =	wrdreg $0x60  }
0xae: {  	[dreg:$0x2] =	wrdreg s2  }
0xaf: {  	[dreg:$0x3] =	wrdreg s24  }
0xb0: {  	[dreg:$0x4] =	wrdreg $0x9  }
0xb1: {  	_ =	task.clear_ibuf [dreg:s7], $0x5FFFF;
	_ =	strace $0x90000046  }
0xb2: {  	s29 =	simm.s32 $0x9;
	_ =	strace $0x80000048  }
0xb3: {  	_ =	swait.ge [sflag:s29], $0x1  }
0xb4: {  	[sflag:s29] =	ssyncadd.s32 $0xFFFFFFFF  }
0xb5: {  	_ =	strace $0x90000048  }
0xb6: {  	_ =	sfence  }
0xb7: {  	s30 =	sld [smem:$0x0];
	_ =	sdelay $0x2  }
0xb8: {  	s31 =	sshll.u32 s1, $0xD;
	s1 =	sshrl.u32 s1, $0x2  }
0xb9: {  	s3 =	sand.u32 $0x4000, s31;
	s1 =	sadd.s32 s1, s30  }
0xba: {  	s0 =	sor.u32 s3, s0;
	s1 =	sshll.u32 s1, $0x11  }
0xbb: {  	s0 =	sor.u32 s1, s0  }
0xbc: {  	s0 =	sadd.s32 $0x8F2B, s0  }
0xbd: {  	[sflag:s0] =	ssyncadd.remote.s32 $0x1  }
0xbe: {  	_ =	sfence.sel $0xFFFF  }
0xbf: {  	[dreg:$0x0] =	wrdreg $0xFFFFFFFF;
	(pc) =	sbr.abs _section_cstart, $3  }
0xc0: {  	[dreg:$0x1] =	wrdreg $0xFFFFFFFF  }
0xc1: {  	_ =	task.clear_ibuf [dreg:s7], $0x2FFFF;
	_ =	strace $0x9FFFFFFF  }
0xc2: {  	(tm) =	ssettm $0x7FFFFFFF  }
0xc3: {  	_ =	shalt  }
tec
execute0_lowered:
.L_overlay_start_1:
0x0: {  	(tag) =	ssettag $0x1  }
0x1: {  	s0 =	srdreg.scid  }
0x2: {  	s16 =	stileid.u32;
	s0 =	sand.u32 $0x1, s0  }
0x3: {  	s1 =	rddreg [dreg:$0x0];
	s3 =	sshll.u32 s16, $0x7;
	s4 =	sshll.u32 s0, $0x6  }
0x4: {  	s18 =	rddreg [dreg:$0x1];
	s2 =	simm.s32 $0x0;
	s3 =	sor.u32 s4, s3  }
0x5: {  	[smem:$0x7FF] =	sst s2;
	s1 =	sadd.s32 s1, s3  }
0x6: {  	_ =	strace $0x80000047;
	[dreg:$0x3] =	wrdreg s1  }
0x7: {  	s3 =	sadd.s32 s3, s18;
	s1 =	rddreg [dreg:$0x3]  }
0x8: {  	[tilespmem:s2], [sflag:$0x5] =	stream.linear.gather [hbm4b:s1+s2], $0x200, $0x38;
	[tilespmem:$0x10400] =	vst v63  }
0x9: {  	s5 =	simm.s32 $0x5;
	s4 =	simm.s32 $0x200;
	s3 =	sadd.s32 $0x44DA00, s3  }
0xa: {  	[tilespmem:s4], [sflag:$0x5] =	stream.linear.gather [hbm4b:s3+s2], $0x200, $0x38;
	[tilespmem:$0x10400] =	vst v63  }
0xb: {  	_ =	swait.ge [sflag:s5], $0x200  }
0xc: {  	[sflag:s5] =	ssyncset.done $0x0  }
0xd: {  	[sflag:s5] =	ssyncadd.s32 $0xFFFFFE00  }
0xe: {  	_ =	swait.ge [sflag:s5], $0x200  }
0xf: {  	s7 =	simm.s32 $0x80;
	[sflag:s5] =	ssyncset.done $0x0  }
0x10: {  	s8 =	simm.s32 $0x400;
	s6 =	sadd.s32 $0x1A00, s18;
	[sflag:s5] =	ssyncadd.s32 $0xFFFFFE00  }
0x11: {  	[tilespmem:s8], [sflag:$0x1] =	stream.indirect.gather [hbm4b:s6+s7], $0x80, s2, s7, $0xb8;
	[tilespmem:$0x10400] =	vst v63  }
0x12: {  	s10 =	simm.s32 $0x8400;
	s9 =	sadd.s32 $0x3E9A00, s18  }
0x13: {  	[tilespmem:s10], [sflag:$0x3] =	stream.indirect.gather [hbm4b:s9+s7], $0x80, s4, s7, $0xb8;
	[tilespmem:$0x10400] =	vst v63  }
0x14: {  	s11 =	simm.s32 $0x4400  }
0x15: {  	[tilespmem:s11], [sflag:$0x2] =	stream.indirect.gather [hbm4b:s6+s7], $0x80, s7, s7, $0xb8;
	[tilespmem:$0x10400] =	vst v63  }
0x16: {  	s12 =	simm.s32 $0x280;
	s13 =	simm.s32 $0xC400;
	s14 =	simm.s32 $0x1  }
0x17: {  	[tilespmem:s13], [sflag:$0x4] =	stream.indirect.gather [hbm4b:s9+s7], $0x80, s12, s7, $0xb8;
	[tilespmem:$0x10400] =	vst v63  }
0x18: {  	_ =	swait.ge [sflag:s14], $0x4000  }
0x19: {  	[sflag:s14] =	ssyncset.done $0x0  }
0x1a: {  	s15 =	simm.s32 $0x3;
	[sflag:s14] =	ssyncadd.s32 $0xFFFFC000  }
0x1b: {  	s25 =	sshll.u32 s16, $0xE;
	s26 =	sshll.u32 s0, $0xD;
	_ =	swait.ge [sflag:s15], $0x4000  }
0x1c: {  	s30 =	sadd.s32 $0x44E200, s18;
	s1 =	sor.u32 s26, s25;
	[sflag:s15] =	ssyncset.done $0x0  }
0x1d: {  	s16 =	simm.s32 $0x6;
	s17 =	sadd.s32 s30, s1;
	[sflag:s15] =	ssyncadd.s32 $0xFFFFC000  }
0x1e: {  	[hbm4b:s17+s2] =	stream.linear.scatter [tilespmem:s8], [sflag:$0x6], $0x4000, $0x38;
	[tilespmem:$0x10400] =	vst v63  }
0x1f: {  	_ =	swait.ge [sflag:s16], $0x4000  }
0x20: {  	s31 =	sadd.s32 $0x48E200, s18;
	[sflag:s16] =	ssyncset.done $0x0  }
0x21: {  	s18 =	sadd.s32 s31, s1;
	[sflag:s16] =	ssyncadd.s32 $0xFFFFC000  }
0x22: {  	[hbm4b:s18+s2] =	stream.linear.scatter [tilespmem:s10], [sflag:$0x6], $0x4000, $0x38;
	[tilespmem:$0x10400] =	vst v63  }
0x23: {  	_ =	swait.ge [sflag:s16], $0x4000  }
0x24: {  	[sflag:s16] =	ssyncset.done $0x0  }
0x25: {  	s19 =	simm.s32 $0x100;
	[sflag:s16] =	ssyncadd.s32 $0xFFFFC000  }
0x26: {  	[tilespmem:s8], [sflag:$0x1] =	stream.indirect.gather [hbm4b:s6+s7], $0x80, s19, s7, $0xb8;
	[tilespmem:$0x10400] =	vst v63  }
0x27: {  	s20 =	simm.s32 $0x300;
	s21 =	simm.s32 $0x2  }
0x28: {  	[tilespmem:s10], [sflag:$0x3] =	stream.indirect.gather [hbm4b:s9+s7], $0x80, s20, s7, $0xb8;
	[tilespmem:$0x10400] =	vst v63  }
0x29: {  	_ =	swait.ge [sflag:s21], $0x4000  }
0x2a: {  	[sflag:s21] =	ssyncset.done $0x0  }
0x2b: {  	s22 =	simm.s32 $0x4;
	[sflag:s21] =	ssyncadd.s32 $0xFFFFC000  }
0x2c: {  	_ =	swait.ge [sflag:s22], $0x4000  }
0x2d: {  	s24 =	sor.u32 $0x800, s1;
	[sflag:s22] =	ssyncset.done $0x0  }
0x2e: {  	s23 =	sadd.s32 s30, s24;
	[sflag:s22] =	ssyncadd.s32 $0xFFFFC000  }
0x2f: {  	[hbm4b:s23+s2] =	stream.linear.scatter [tilespmem:s11], [sflag:$0x6], $0x4000, $0x38;
	[tilespmem:$0x10400] =	vst v63  }
0x30: {  	_ =	swait.ge [sflag:s16], $0x4000  }
0x31: {  	[sflag:s16] =	ssyncset.done $0x0  }
0x32: {  	s24 =	sadd.s32 s31, s24;
	[dreg:$0x4] =	wrdreg s31;
	[sflag:s16] =	ssyncadd.s32 $0xFFFFC000  }
0x33: {  	[hbm4b:s24+s2] =	stream.linear.scatter [tilespmem:s13], [sflag:$0x6], $0x4000, $0x38;
	[tilespmem:$0x10400] =	vst v63  }
0x34: {  	_ =	swait.ge [sflag:s16], $0x4000  }
0x35: {  	[sflag:s16] =	ssyncset.done $0x0  }
0x36: {  	s25 =	simm.s32 $0x180;
	[sflag:s16] =	ssyncadd.s32 $0xFFFFC000  }
0x37: {  	[tilespmem:s11], [sflag:$0x2] =	stream.indirect.gather [hbm4b:s6+s7], $0x80, s25, s7, $0xb8;
	[tilespmem:$0x10400] =	vst v63  }
0x38: {  	s26 =	simm.s32 $0x380  }
0x39: {  	[tilespmem:s13], [sflag:$0x4] =	stream.indirect.gather [hbm4b:s9+s7], $0x80, s26, s7, $0xb8;
	[tilespmem:$0x10400] =	vst v63  }
0x3a: {  	_ =	swait.ge [sflag:s14], $0x4000  }
0x3b: {  	[sflag:s14] =	ssyncset.done $0x0  }
0x3c: {  	[sflag:s14] =	ssyncadd.s32 $0xFFFFC000  }
0x3d: {  	_ =	swait.ge [sflag:s15], $0x4000  }
0x3e: {  	s29 =	sor.u32 $0x1000, s1;
	[sflag:s15] =	ssyncset.done $0x0  }
0x3f: {  	s28 =	sadd.s32 s30, s29;
	[sflag:s15] =	ssyncadd.s32 $0xFFFFC000  }
0x40: {  	[hbm4b:s28+s2] =	stream.linear.scatter [tilespmem:s8], [sflag:$0x6], $0x4000, $0x38;
	[tilespmem:$0x10400] =	vst v63  }
0x41: {  	_ =	swait.ge [sflag:s16], $0x4000  }
0x42: {  	[sflag:s16] =	ssyncset.done $0x0  }
0x43: {  	s29 =	sadd.s32 s31, s29;
	[sflag:s16] =	ssyncadd.s32 $0xFFFFC000  }
0x44: {  	[hbm4b:s29+s2] =	stream.linear.scatter [tilespmem:s10], [sflag:$0x6], $0x4000, $0x38;
	[tilespmem:$0x10400] =	vst v63  }
0x45: {  	_ =	swait.ge [sflag:s16], $0x4000  }
0x46: {  	[sflag:s16] =	ssyncset.done $0x0  }
0x47: {  	[sflag:s16] =	ssyncadd.s32 $0xFFFFC000  }
0x48: {  	_ =	swait.ge [sflag:s21], $0x4000  }
0x49: {  	s0 =	ssub.s32 $0x2, s0;
	[sflag:s21] =	ssyncset.done $0x0  }
0x4a: {  	s31 =	sshrl.u32 s0, $0x1;
	[sflag:s21] =	ssyncadd.s32 $0xFFFFC000  }
0x4b: {  	s0 =	ssub.s32 s0, s31;
	_ =	swait.ge [sflag:s22], $0x4000  }
0x4c: {  	s1 =	sor.u32 $0x1800, s1;
	s0 =	smax.u32 s0, $0x1;
	[sflag:s22] =	ssyncset.done $0x0  }
0x4d: {  	s30 =	sadd.s32 s30, s1;
	p0 =	sne.s32 s0, $0x1;
	[sflag:s22] =	ssyncadd.s32 $0xFFFFC000  }
0x4e: {  	[hbm4b:s30+s2] =	stream.linear.scatter [tilespmem:s11], [sflag:$0x6], $0x4000, $0x38;
	[tilespmem:$0x10400] =	vst v63  }
.Ltmp0:
0x4f: {  	_ =	swait.ge [sflag:s16], $0x4000;
	(pc) =	sbr.rel @!p0 .LBB2_2-.Ltmp0, $4  }
0x50: {  	[sflag:s16] =	ssyncset.done $0x0;
	s31 =	rddreg [dreg:$0x4]  }
0x51: {  	s31 =	sadd.s32 s31, s1;
	[sflag:s16] =	ssyncadd.s32 $0xFFFFC000  }
0x52: {  	[hbm4b:s31+s2] =	stream.linear.scatter [tilespmem:s13], [sflag:$0x6], $0x4000, $0x38;
	[tilespmem:$0x10400] =	vst v63  }
0x53: {  	s0 =	sadd.s32 $0xFFFFFFFF, s0;
	_ =	swait.ge [sflag:s16], $0x4000  }
.LBB2_1:
0x54: {  	[sflag:s16] =	ssyncset.done $0x0  }
0x55: {  	s1 =	rddreg [dreg:$0x3];
	[sflag:s16] =	ssyncadd.s32 $0xFFFFC000  }
0x56: {  	[tilespmem:s2], [sflag:$0x5] =	stream.linear.gather [hbm4b:s1+s2], $0x200, $0x38;
	[tilespmem:$0x10400] =	vst v63  }
0x57: {  	_ = 	snop  }
0x58: {  	[tilespmem:s4], [sflag:$0x5] =	stream.linear.gather [hbm4b:s3+s2], $0x200, $0x38;
	[tilespmem:$0x10400] =	vst v63  }
0x59: {  	_ =	swait.ge [sflag:s5], $0x200  }
0x5a: {  	[sflag:s5] =	ssyncset.done $0x0  }
0x5b: {  	[sflag:s5] =	ssyncadd.s32 $0xFFFFFE00  }
0x5c: {  	_ =	swait.ge [sflag:s5], $0x200  }
0x5d: {  	[sflag:s5] =	ssyncset.done $0x0  }
0x5e: {  	[sflag:s5] =	ssyncadd.s32 $0xFFFFFE00  }
0x5f: {  	[tilespmem:s8], [sflag:$0x1] =	stream.indirect.gather [hbm4b:s6+s7], $0x80, s2, s7, $0xb8;
	[tilespmem:$0x10400] =	vst v63  }
0x60: {  	_ = 	snop  }
0x61: {  	[tilespmem:s10], [sflag:$0x3] =	stream.indirect.gather [hbm4b:s9+s7], $0x80, s4, s7, $0xb8;
	[tilespmem:$0x10400] =	vst v63  }
0x62: {  	_ = 	snop  }
0x63: {  	[tilespmem:s11], [sflag:$0x2] =	stream.indirect.gather [hbm4b:s6+s7], $0x80, s7, s7, $0xb8;
	[tilespmem:$0x10400] =	vst v63  }
0x64: {  	_ = 	snop  }
0x65: {  	[tilespmem:s13], [sflag:$0x4] =	stream.indirect.gather [hbm4b:s9+s7], $0x80, s12, s7, $0xb8;
	[tilespmem:$0x10400] =	vst v63  }
0x66: {  	_ =	swait.ge [sflag:s14], $0x4000  }
0x67: {  	[sflag:s14] =	ssyncset.done $0x0  }
0x68: {  	[sflag:s14] =	ssyncadd.s32 $0xFFFFC000  }
0x69: {  	_ =	swait.ge [sflag:s15], $0x4000  }
0x6a: {  	[sflag:s15] =	ssyncset.done $0x0  }
0x6b: {  	[sflag:s15] =	ssyncadd.s32 $0xFFFFC000  }
0x6c: {  	[hbm4b:s17+s2] =	stream.linear.scatter [tilespmem:s8], [sflag:$0x6], $0x4000, $0x38;
	[tilespmem:$0x10400] =	vst v63  }
0x6d: {  	_ =	swait.ge [sflag:s16], $0x4000  }
0x6e: {  	[sflag:s16] =	ssyncset.done $0x0  }
0x6f: {  	[sflag:s16] =	ssyncadd.s32 $0xFFFFC000  }
0x70: {  	[hbm4b:s18+s2] =	stream.linear.scatter [tilespmem:s10], [sflag:$0x6], $0x4000, $0x38;
	[tilespmem:$0x10400] =	vst v63  }
0x71: {  	_ =	swait.ge [sflag:s16], $0x4000  }
0x72: {  	[sflag:s16] =	ssyncset.done $0x0  }
0x73: {  	[sflag:s16] =	ssyncadd.s32 $0xFFFFC000  }
0x74: {  	[tilespmem:s8], [sflag:$0x1] =	stream.indirect.gather [hbm4b:s6+s7], $0x80, s19, s7, $0xb8;
	[tilespmem:$0x10400] =	vst v63  }
0x75: {  	_ = 	snop  }
0x76: {  	[tilespmem:s10], [sflag:$0x3] =	stream.indirect.gather [hbm4b:s9+s7], $0x80, s20, s7, $0xb8;
	[tilespmem:$0x10400] =	vst v63  }
0x77: {  	_ =	swait.ge [sflag:s21], $0x4000  }
0x78: {  	[sflag:s21] =	ssyncset.done $0x0  }
0x79: {  	[sflag:s21] =	ssyncadd.s32 $0xFFFFC000  }
0x7a: {  	_ =	swait.ge [sflag:s22], $0x4000  }
0x7b: {  	[sflag:s22] =	ssyncset.done $0x0  }
0x7c: {  	[sflag:s22] =	ssyncadd.s32 $0xFFFFC000  }
0x7d: {  	[hbm4b:s23+s2] =	stream.linear.scatter [tilespmem:s11], [sflag:$0x6], $0x4000, $0x38;
	[tilespmem:$0x10400] =	vst v63  }
0x7e: {  	_ =	swait.ge [sflag:s16], $0x4000  }
0x7f: {  	[sflag:s16] =	ssyncset.done $0x0  }
0x80: {  	[sflag:s16] =	ssyncadd.s32 $0xFFFFC000  }
0x81: {  	[hbm4b:s24+s2] =	stream.linear.scatter [tilespmem:s13], [sflag:$0x6], $0x4000, $0x38;
	[tilespmem:$0x10400] =	vst v63  }
0x82: {  	_ =	swait.ge [sflag:s16], $0x4000  }
0x83: {  	[sflag:s16] =	ssyncset.done $0x0  }
0x84: {  	[sflag:s16] =	ssyncadd.s32 $0xFFFFC000  }
0x85: {  	[tilespmem:s11], [sflag:$0x2] =	stream.indirect.gather [hbm4b:s6+s7], $0x80, s25, s7, $0xb8;
	[tilespmem:$0x10400] =	vst v63  }
0x86: {  	_ = 	snop  }
0x87: {  	[tilespmem:s13], [sflag:$0x4] =	stream.indirect.gather [hbm4b:s9+s7], $0x80, s26, s7, $0xb8;
	[tilespmem:$0x10400] =	vst v63  }
0x88: {  	_ =	swait.ge [sflag:s14], $0x4000  }
0x89: {  	[sflag:s14] =	ssyncset.done $0x0  }
0x8a: {  	[sflag:s14] =	ssyncadd.s32 $0xFFFFC000  }
0x8b: {  	_ =	swait.ge [sflag:s15], $0x4000  }
0x8c: {  	[sflag:s15] =	ssyncset.done $0x0  }
0x8d: {  	[sflag:s15] =	ssyncadd.s32 $0xFFFFC000  }
0x8e: {  	[hbm4b:s28+s2] =	stream.linear.scatter [tilespmem:s8], [sflag:$0x6], $0x4000, $0x38;
	[tilespmem:$0x10400] =	vst v63  }
0x8f: {  	_ =	swait.ge [sflag:s16], $0x4000  }
0x90: {  	[sflag:s16] =	ssyncset.done $0x0  }
0x91: {  	[sflag:s16] =	ssyncadd.s32 $0xFFFFC000  }
0x92: {  	[hbm4b:s29+s2] =	stream.linear.scatter [tilespmem:s10], [sflag:$0x6], $0x4000, $0x38;
	[tilespmem:$0x10400] =	vst v63  }
0x93: {  	_ =	swait.ge [sflag:s16], $0x4000  }
0x94: {  	[sflag:s16] =	ssyncset.done $0x0  }
0x95: {  	[sflag:s16] =	ssyncadd.s32 $0xFFFFC000  }
0x96: {  	_ =	swait.ge [sflag:s21], $0x4000  }
0x97: {  	[sflag:s21] =	ssyncset.done $0x0  }
0x98: {  	[sflag:s21] =	ssyncadd.s32 $0xFFFFC000  }
0x99: {  	_ =	swait.ge [sflag:s22], $0x4000  }
0x9a: {  	[sflag:s22] =	ssyncset.done $0x0  }
0x9b: {  	p0 =	sne.s32 s0, $0x1;
	[sflag:s22] =	ssyncadd.s32 $0xFFFFC000  }
0x9c: {  	[hbm4b:s30+s2] =	stream.linear.scatter [tilespmem:s11], [sflag:$0x6], $0x4000, $0x38;
	[tilespmem:$0x10400] =	vst v63  }
.Ltmp1:
0x9d: {  	_ =	swait.ge [sflag:s16], $0x4000;
	(pc) =	sbr.rel @p0 .LBB2_1-.Ltmp1, $4  }
0x9e: {  	[sflag:s16] =	ssyncset.done $0x0  }
0x9f: {  	[sflag:s16] =	ssyncadd.s32 $0xFFFFC000  }
0xa0: {  	[hbm4b:s31+s2] =	stream.linear.scatter [tilespmem:s13], [sflag:$0x6], $0x4000, $0x38;
	[tilespmem:$0x10400] =	vst v63  }
0xa1: {  	s0 =	sadd.s32 $0xFFFFFFFF, s0;
	_ =	swait.ge [sflag:s16], $0x4000  }
.LBB2_2:
0xa2: {  	[sflag:s16] =	ssyncset.done $0x0  }
0xa3: {  	[sflag:s16] =	ssyncadd.s32 $0xFFFFC000  }
0xa4: {  	_ =	sfence.sel $0x180000  }
0xa5: {  	[bflag:$0x0] =	sbarrier.arrive $0xFFFF  }
0xa6: {  	_ =	strace $0x90000047  }
0xa7: {  	s0 =	stileid.u32;
	[bflag:$0x2] =	sbarrier.arrive $0xFFFF  }
0xa8: {  	p0 =	sne.s32 s0, $0x0;
	s0 =	rddreg [dreg:$0x2]  }
0xa9: {  	s0 =	sadd.s32 @!p0 $0x100000, s0  }
0xaa: {  	[sflag:s0] =	ssyncadd.tile.s32 @!p0 $0x1;
	_ =	shalt  }
.Lfunc_end2:
_tile_overlayer_lowered:
.L_overlay_start_2:
0xab: {  	(tag) =	ssettag $0x2  }
0xac: {  	s0 =	rddreg [dreg:$0x0];
	s2 =	stileid.u32  }
0xad: {  	s1 =	rddreg [dreg:$0x1];
	p0 =	sne.s32 s2, $0x0  }
0xae: {  	s3 =	rddreg [dreg:$0x2];
	[bflag:$0x3] =	sbarrier.arrive $0xFFFF;
	s2 =	simm.s32 @!p0 $0x1C06  }
0xaf: {  	[timem:s3], [sflag:s2] =	dma.local @!p0 [hbm:s0], s1  }
0xb0: {  	s0 =	simm.s32 @!p0 $0x6  }
0xb1: {  	_ =	swait.ge @!p0 [sflag:s0], s1  }
0xb2: {  	s1 =	ssub.s32 @!p0 $0x0, s1;
	[sflag:s0] =	ssyncset.done @!p0 $0x0  }
0xb3: {  	[sflag:s0] =	ssyncadd.s32 @!p0 s1  }
0xb4: {  	[bflag:$0x3] =	sbarrier.arrive $0xFFFF  }
0xb5: {  	_ =	shalt  }

</sc_bundles>
